<compile_context>
chip_gen: v7x
topology: tpu7x:2x2x1
jax: 0.10.2.dev20260603
libtpu: 0.0.44.dev20260713+nightly
codegen_flags: <defaults>
</compile_context>

<pallas_src>
import jax
import jax.numpy as jnp
from jax import lax
from jax.experimental import pallas as pl
from jax.experimental.pallas import tpu as pltpu
from jax.experimental.pallas import tpu_sc as plsc

N_CORES = 2
N_SUBCORES = 16
N_WORKERS = N_CORES * N_SUBCORES
CHUNK = 64
ROWS_PER_TILE = 632
NP = N_SUBCORES * ROWS_PER_TILE
BR = 2000
HIST_ROWS = 80


T_CORE0 = 158
T_CORE1 = 158


def _pack_edges(vec, fill, e):
    c0, c1 = T_CORE0 * CHUNK, T_CORE1 * CHUNK
    cm = max(c0, c1)
    total = N_SUBCORES * (c0 + c1)
    assert total >= e
    v = jnp.concatenate([vec, jnp.full((total - e,), fill, jnp.int32)])
    p0 = v[:N_SUBCORES * c0].reshape(N_SUBCORES, c0)
    p1 = v[N_SUBCORES * c0:].reshape(N_SUBCORES, c1)
    p0 = jnp.pad(p0, ((0, 0), (0, cm - c0)), constant_values=fill)
    p1 = jnp.pad(p1, ((0, 0), (0, cm - c1)), constant_values=fill)
    return jnp.concatenate([p0, p1], axis=0)


def _sc_mesh():
    return plsc.VectorSubcoreMesh(
        core_axis_name="c", subcore_axis_name="s",
        num_cores=N_CORES, num_subcores=N_SUBCORES)


def _make_agg(dout, with_deg=False):
    TM = max(T_CORE0, T_CORE1)
    assert T_CORE0 % 2 == 0 and T_CORE1 % 2 == 0
    assert min(T_CORE0, T_CORE1) >= 4

    def body(src_hbm, dst_hbm, hn_hbm, zacc_hbm, *rest):
        if with_deg:
            (acc_out, deg_out, src_v, dst_v, rows0, rows1, acc_sh, hist_v,
             gs0, gs1, ss0, ss1) = rest
        else:
            (acc_out, src_v, dst_v, rows0, rows1, acc_sh,
             gs0, gs1, ss0, ss1) = rest
        cid = lax.axis_index("c")
        sid = lax.axis_index("s")
        wid = cid * N_SUBCORES + sid
        T = (T_CORE0 if T_CORE0 == T_CORE1
             else lax.select(cid == 0, T_CORE0, T_CORE1))
        r0 = sid * ROWS_PER_TILE
        pltpu.sync_copy(zacc_hbm.at[pl.ds(r0, ROWS_PER_TILE)],
                        acc_sh.at[pl.ds(r0, ROWS_PER_TILE)])
        pltpu.sync_copy(src_hbm.at[wid], src_v)
        pltpu.sync_copy(dst_hbm.at[wid], dst_v)
        if with_deg:
            pltpu.sync_copy(zacc_hbm.at[pl.ds(0, HIST_ROWS)], hist_v)
        plsc.subcore_barrier()

        rows = (rows0, rows1)
        gsem = (gs0, gs1)
        ssem = (ss0, ss1)
        ones16 = jnp.ones((16,), jnp.float32)

        def g(c, b):
            base = pl.multiple_of(c * CHUNK, CHUNK)
            pltpu.async_copy(hn_hbm.at[src_v.at[pl.ds(base, CHUNK)]],
                             rows[b], gsem[b])

        def gwait(b):
            pltpu.make_async_copy(hn_hbm.at[pl.ds(0, CHUNK)], rows[b],
                                  gsem[b]).wait()

        def s(c, b):
            base = pl.multiple_of(c * CHUNK, CHUNK)
            pltpu.async_copy(rows[b], acc_sh.at[dst_v.at[pl.ds(base, CHUNK)]],
                             ssem[b], add=True)

        def swait(b):
            pltpu.make_async_copy(rows[b], acc_sh.at[pl.ds(0, CHUNK)],
                                  ssem[b]).wait()

        def deg(c):
            if with_deg:
                for q in range(CHUNK // 16):
                    base = pl.multiple_of(c * CHUNK + q * 16, 16)
                    dv = dst_v[pl.ds(base, 16)]
                    plsc.addupdate_scatter(
                        hist_v,
                        [lax.shift_right_logical(dv, 7),
                         jnp.bitwise_and(dv, 127)],
                        ones16)

        g(0, 0)
        gwait(0)
        s(0, 0)
        deg(0)
        g(1, 1)

        def step(t, carry):
            c = 2 * t
            gwait(1)
            s(c + 1, 1)
            swait(0)
            g(c + 2, 0)
            deg(c + 1)
            gwait(0)
            s(c + 2, 0)
            swait(1)
            g(c + 3, 1)
            deg(c + 2)
            return carry

        lax.fori_loop(0, T // 2 - 1, step, 0)
        gwait(1)
        s(T - 1, 1)
        deg(T - 1)
        swait(0)
        swait(1)
        plsc.subcore_barrier()
        pltpu.sync_copy(acc_sh.at[pl.ds(r0, ROWS_PER_TILE)],
                        acc_out.at[cid, pl.ds(r0, ROWS_PER_TILE)])
        if with_deg:
            pltpu.sync_copy(hist_v, deg_out.at[wid])

    acc_t = jax.ShapeDtypeStruct((N_CORES, NP, dout), jnp.float32)
    out_type = ([acc_t,
                 jax.ShapeDtypeStruct((N_WORKERS, HIST_ROWS, 128), jnp.float32)]
                if with_deg else acc_t)
    scratch = [
        pltpu.VMEM((TM * CHUNK,), jnp.int32),
        pltpu.VMEM((TM * CHUNK,), jnp.int32),
        pltpu.VMEM((CHUNK, dout), jnp.float32),
        pltpu.VMEM((CHUNK, dout), jnp.float32),
        pltpu.VMEM_SHARED((NP, dout), jnp.float32),
    ]
    if with_deg:
        scratch.append(pltpu.VMEM((HIST_ROWS, 128), jnp.float32))
    scratch += [pltpu.SemaphoreType.DMA] * 4

    return pl.kernel(
        body, out_type=out_type, mesh=_sc_mesh(), scratch_types=scratch,
        compiler_params=pltpu.CompilerParams(
            needs_layout_passes=False) if with_deg else None)


def _tc_pre(x, Wself, Wneigh, b):
    n, din = x.shape
    dout = Wself.shape[1]
    grid = n // BR

    def body(x_ref, ws_ref, wn_ref, b_ref, hs_ref, hn_ref):
        xb = x_ref[...]
        hs_ref[...] = (jnp.dot(xb, ws_ref[...], preferred_element_type=jnp.float32)
                       + b_ref[...])
        hn_ref[...] = jnp.dot(xb, wn_ref[...], preferred_element_type=jnp.float32)

    return pl.pallas_call(
        body,
        grid=(grid,),
        in_specs=[
            pl.BlockSpec((BR, din), lambda i: (i, 0)),
            pl.BlockSpec((din, dout), lambda i: (0, 0)),
            pl.BlockSpec((din, dout), lambda i: (0, 0)),
            pl.BlockSpec((1, dout), lambda i: (0, 0)),
        ],
        out_specs=[
            pl.BlockSpec((BR, dout), lambda i: (i, 0)),
            pl.BlockSpec((BR, dout), lambda i: (i, 0)),
        ],
        out_shape=[
            jax.ShapeDtypeStruct((n, dout), jnp.float32),
            jax.ShapeDtypeStruct((n, dout), jnp.float32),
        ],
    )(x, Wself, Wneigh, b.reshape(1, dout))


def _tc_mid(hsp, accA, accB, dh, Wself, Wneigh, b):
    n, din = hsp.shape
    dout_s = Wself.shape[1]
    dout_n = Wneigh.shape[1]
    grid = n // BR

    def body(hsp_ref, aA_ref, aB_ref, dh_ref, ws_ref, wn_ref, b_ref,
             hs_ref, hn_ref):
        deg = jnp.sum(dh_ref[...], axis=1, keepdims=True)
        mean = (aA_ref[...] + aB_ref[...]) / jnp.maximum(deg, 1.0)
        h = jnp.maximum(hsp_ref[...] + mean, 0.0)
        hs_ref[...] = (jnp.dot(h, ws_ref[...], preferred_element_type=jnp.float32)
                       + b_ref[...])
        hn_ref[...] = jnp.dot(h, wn_ref[...], preferred_element_type=jnp.float32)

    return pl.pallas_call(
        body,
        grid=(grid,),
        in_specs=[
            pl.BlockSpec((BR, din), lambda i: (i, 0)),
            pl.BlockSpec((BR, din), lambda i: (i, 0)),
            pl.BlockSpec((BR, din), lambda i: (i, 0)),
            pl.BlockSpec((BR, N_WORKERS), lambda i: (i, 0)),
            pl.BlockSpec((din, dout_s), lambda i: (0, 0)),
            pl.BlockSpec((din, dout_n), lambda i: (0, 0)),
            pl.BlockSpec((1, dout_s), lambda i: (0, 0)),
        ],
        out_specs=[
            pl.BlockSpec((BR, dout_s), lambda i: (i, 0)),
            pl.BlockSpec((BR, dout_n), lambda i: (i, 0)),
        ],
        out_shape=[
            jax.ShapeDtypeStruct((n, dout_s), jnp.float32),
            jax.ShapeDtypeStruct((n, dout_n), jnp.float32),
        ],
    )(hsp, accA, accB, dh, Wself, Wneigh, b.reshape(1, dout_s))


def _tc_post(hsp, accA, accB, dh):
    n, dout = hsp.shape
    dacc = accA.shape[1]
    grid = n // BR

    def body(hsp_ref, aA_ref, aB_ref, dh_ref, out_ref):
        deg = jnp.sum(dh_ref[...], axis=1, keepdims=True)
        mean = (aA_ref[:, :dout] + aB_ref[:, :dout]) / jnp.maximum(deg, 1.0)
        out_ref[...] = hsp_ref[...] + mean

    return pl.pallas_call(
        body,
        grid=(grid,),
        in_specs=[
            pl.BlockSpec((BR, dout), lambda i: (i, 0)),
            pl.BlockSpec((BR, dacc), lambda i: (i, 0)),
            pl.BlockSpec((BR, dacc), lambda i: (i, 0)),
            pl.BlockSpec((BR, N_WORKERS), lambda i: (i, 0)),
        ],
        out_specs=pl.BlockSpec((BR, dout), lambda i: (i, 0)),
        out_shape=jax.ShapeDtypeStruct((n, dout), jnp.float32),
    )(hsp, accA, accB, dh)


def kernel(x, edge_index, Wself0, Wneigh0, b0, Wself1, Wneigh1, b1,
           Wself2, Wneigh2, b2):
    n = x.shape[0]
    e = edge_index.shape[1]

    src_p = _pack_edges(edge_index[0].astype(jnp.int32), 0, e)
    dst_p = _pack_edges(edge_index[1].astype(jnp.int32), n, e)

    z128 = jnp.zeros((NP, 128), jnp.float32)

    Wneigh2p = jnp.concatenate(
        [Wneigh2, jnp.zeros((Wneigh2.shape[0], 128 - Wneigh2.shape[1]),
                            jnp.float32)], axis=1)

    agg_deg = _make_agg(128, with_deg=True)
    agg128 = _make_agg(128)

    hs0, hn0 = _tc_pre(x, Wself0, Wneigh0, b0)
    acc0, deg_hists = agg_deg(src_p, dst_p, hn0, z128)
    dh = deg_hists.reshape(N_WORKERS, HIST_ROWS * 128).T
    hs1, hn1 = _tc_mid(hs0, acc0[0], acc0[1], dh, Wself1, Wneigh1, b1)
    acc1 = agg128(src_p, dst_p, hn1, z128)
    hs2, hn2 = _tc_mid(hs1, acc1[0], acc1[1], dh, Wself2, Wneigh2p, b2)
    acc2 = agg128(src_p, dst_p, hn2, z128)
    out = _tc_post(hs2, acc2[0], acc2[1], dh)
    return out

# --- scband reference (transcript-rebuilt; emitter-appended) ---
"""Pipeline reference for scband-sage-18382460027034 (READ-ONLY COPY).

The authoritative reference and input builder live on the scoring server;
editing this copy changes nothing except your own understanding.
"""

import jax, jax.numpy as jnp
import numpy as np

N_NODES = 10000
N_EDGES = 320000
IN_FEATS = 128
N_HIDDEN = 128
N_CLASSES = 64


def setup_inputs(seed: int = 0) -> dict:
    key = jax.random.key(seed)
    ks = jax.random.split(key, 12)
    x = jax.random.normal(ks[0], (N_NODES, IN_FEATS), dtype=jnp.float32)
    edge_index = jax.random.randint(ks[1], (2, N_EDGES), 0, N_NODES, dtype=jnp.int64)
    dims = [(IN_FEATS, N_HIDDEN), (N_HIDDEN, N_HIDDEN), (N_HIDDEN, N_CLASSES)]
    inp = {"x": x, "edge_index": edge_index}
    for l, (din, dout) in enumerate(dims):
        scale = 1.0 / np.sqrt(din)
        inp[f"Wself{l}"] = jax.random.normal(ks[2 + 3 * l], (din, dout), dtype=jnp.float32) * scale
        inp[f"Wneigh{l}"] = jax.random.normal(ks[3 + 3 * l], (din, dout), dtype=jnp.float32) * scale
        inp[f"b{l}"] = jnp.zeros((dout,), dtype=jnp.float32)
    return inp


def _mean_agg(h, src, dst, num_nodes):
    msgs = jnp.take(h, src, axis=0)
    summed = jax.ops.segment_sum(msgs, dst, num_segments=num_nodes)
    deg = jax.ops.segment_sum(jnp.ones((src.shape[0],), dtype=h.dtype), dst, num_segments=num_nodes)
    return summed / jnp.maximum(deg, 1.0)[:, None]


def _sage_conv(h, src, dst, num_nodes, Wself, Wneigh, b):
    # DGL SAGEConv with 'mean' aggregator:
    # rst = fc_self(h_dst) + fc_neigh(mean_{u in N(v)} h_src[u]) + bias
    h_neigh = _mean_agg(h, src, dst, num_nodes)
    return h @ Wself + h_neigh @ Wneigh + b


def reference(x, edge_index, Wself0, Wneigh0, b0, Wself1, Wneigh1, b1, Wself2, Wneigh2, b2):
    src = edge_index[0]
    dst = edge_index[1]
    n = x.shape[0]
    h = _sage_conv(x, src, dst, n, Wself0, Wneigh0, b0)
    h = jax.nn.relu(h)
    # dropout is identity in eval/inference mode
    h = _sage_conv(h, src, dst, n, Wself1, Wneigh1, b1)
    h = jax.nn.relu(h)
    h = _sage_conv(h, src, dst, n, Wself2, Wneigh2, b2)
    return h

if __name__ == "__main__":
    import jax
    _d = setup_inputs()
    print(jax.jit(kernel)(*tuple(_d.values())))

</pallas_src>

<mosaic_0001>
#map = affine_map<(d0, d1) -> (0, 0)>
#map1 = affine_map<(d0, d1) -> (0, 0, 0)>
module attributes {stable_mosaic.version = 14 : i64} {
  func.func @body(%arg0: i32, %arg1: i32, %arg2: memref<32x10112xi32, #tpu.memory_space<hbm>>, %arg3: memref<32x10112xi32, #tpu.memory_space<hbm>>, %arg4: memref<10000x128xf32, #tpu.memory_space<hbm>>, %arg5: memref<10112x128xf32, #tpu.memory_space<hbm>>, %arg6: memref<2x10112x128xf32, #tpu.memory_space<hbm>>, %arg7: memref<32x80x128xf32, #tpu.memory_space<hbm>>, %arg8: memref<10112xi32, #tpu.memory_space<vmem>>, %arg9: memref<10112xi32, #tpu.memory_space<vmem>>, %arg10: memref<64x128xf32, #tpu.memory_space<vmem>>, %arg11: memref<64x128xf32, #tpu.memory_space<vmem>>, %arg12: memref<10112x128xf32, #tpu.memory_space<vmem_shared>>, %arg13: memref<80x128xf32, #tpu.memory_space<vmem>>, %arg14: memref<!tpu.dma_semaphore, #tpu.memory_space<semaphore_mem>>, %arg15: memref<!tpu.dma_semaphore, #tpu.memory_space<semaphore_mem>>, %arg16: memref<!tpu.dma_semaphore, #tpu.memory_space<semaphore_mem>>, %arg17: memref<!tpu.dma_semaphore, #tpu.memory_space<semaphore_mem>>) attributes {dimension_semantics = [#tpu.dimension_semantics<core_parallel>, #tpu.dimension_semantics<subcore_parallel>], iteration_bounds = array<i64: 2, 16>, scalar_prefetch = 0 : i64, scratch_operands = 10 : i64, tpu.core_type = #tpu.core_type<sc_vector_subcore>, window_params = [{transform_indices = #map}, {transform_indices = #map}, {transform_indices = #map}, {transform_indices = #map}, {transform_indices = #map1}, {transform_indices = #map1}]} {
    %mul3A = arith.constant 16 : i32
    %mul3A_0 = arith.muli %arg0, %mul3A : i32
    %add3A = arith.addi %mul3A_0, %arg1 : i32
    %mul3A_1 = arith.constant 632 : i32
    %mul3A_2 = arith.muli %arg1, %mul3A_1 : i32
    "tpu.region"() ({
      %run_scoped3A = tpu.sem_alloc : memref<!tpu.dma_semaphore, #tpu.memory_space<semaphore_mem>>
      %dma_start3A_132 = arith.constant 0 : i32
      %dma_start3A_133 = tpu.memref_slice %arg12[%mul3A_2, %dma_start3A_132] : memref<10112x128xf32, #tpu.memory_space<vmem_shared>> -> memref<632x128xf32, #tpu.memory_space<vmem_shared>>
      %dma_start3A_134 = arith.constant 0 : i32
      %dma_start3A_135 = tpu.memref_slice %arg5[%mul3A_2, %dma_start3A_134] : memref<10112x128xf32, #tpu.memory_space<hbm>> -> memref<632x128xf32, #tpu.memory_space<hbm>>
      tpu.enqueue_dma source(%dma_start3A_135 : memref<632x128xf32, #tpu.memory_space<hbm>>) target(%dma_start3A_133 : memref<632x128xf32, #tpu.memory_space<vmem_shared>>) target_semaphore(%run_scoped3A : memref<!tpu.dma_semaphore, #tpu.memory_space<semaphore_mem>>)
      %dma_wait3A_136 = arith.constant 0 : i32
      %dma_wait3A_137 = tpu.memref_slice %arg12[%mul3A_2, %dma_wait3A_136] : memref<10112x128xf32, #tpu.memory_space<vmem_shared>> -> memref<632x128xf32, #tpu.memory_space<vmem_shared>>
      %dma_wait3A_138 = arith.constant 0 : i32
      %dma_wait3A_139 = tpu.memref_slice %arg5[%mul3A_2, %dma_wait3A_138] : memref<10112x128xf32, #tpu.memory_space<hbm>> -> memref<632x128xf32, #tpu.memory_space<hbm>>
      tpu.wait_dma2 semaphore(%run_scoped3A : memref<!tpu.dma_semaphore, #tpu.memory_space<semaphore_mem>>) src(%dma_wait3A_139 : memref<632x128xf32, #tpu.memory_space<hbm>>) dst(%dma_wait3A_137 : memref<632x128xf32, #tpu.memory_space<vmem_shared>>)
      tpu.yield
    }) : () -> ()
    "tpu.region"() ({
      %run_scoped3A = tpu.sem_alloc : memref<!tpu.dma_semaphore, #tpu.memory_space<semaphore_mem>>
      %dma_start3A_132 = arith.constant 0 : i32
      %dma_start3A_133 = tpu.memref_slice %arg2[%add3A, %dma_start3A_132] : memref<32x10112xi32, #tpu.memory_space<hbm>> -> memref<1x10112xi32, #tpu.memory_space<hbm>>
      %dma_start3A_134 = tpu.memref_squeeze %dma_start3A_133 : memref<1x10112xi32, #tpu.memory_space<hbm>> -> memref<10112xi32, #tpu.memory_space<hbm>>
      %dma_start3A_135 = arith.constant 0 : i32
      %dma_start3A_136 = tpu.memref_slice %arg2[%add3A, %dma_start3A_135] : memref<32x10112xi32, #tpu.memory_space<hbm>> -> memref<1x10112xi32, #tpu.memory_space<hbm>>
      %dma_start3A_137 = tpu.memref_squeeze %dma_start3A_136 : memref<1x10112xi32, #tpu.memory_space<hbm>> -> memref<10112xi32, #tpu.memory_space<hbm>>
      tpu.enqueue_dma source(%dma_start3A_137 : memref<10112xi32, #tpu.memory_space<hbm>>) target(%arg8 : memref<10112xi32, #tpu.memory_space<vmem>>) target_semaphore(%run_scoped3A : memref<!tpu.dma_semaphore, #tpu.memory_space<semaphore_mem>>)
      %dma_wait3A_138 = arith.constant 0 : i32
      %dma_wait3A_139 = tpu.memref_slice %arg2[%add3A, %dma_wait3A_138] : memref<32x10112xi32, #tpu.memory_space<hbm>> -> memref<1x10112xi32, #tpu.memory_space<hbm>>
      %dma_wait3A_140 = tpu.memref_squeeze %dma_wait3A_139 : memref<1x10112xi32, #tpu.memory_space<hbm>> -> memref<10112xi32, #tpu.memory_space<hbm>>
      %dma_wait3A_141 = arith.constant 0 : i32
      %dma_wait3A_142 = tpu.memref_slice %arg2[%add3A, %dma_wait3A_141] : memref<32x10112xi32, #tpu.memory_space<hbm>> -> memref<1x10112xi32, #tpu.memory_space<hbm>>
      %dma_wait3A_143 = tpu.memref_squeeze %dma_wait3A_142 : memref<1x10112xi32, #tpu.memory_space<hbm>> -> memref<10112xi32, #tpu.memory_space<hbm>>
      tpu.wait_dma2 semaphore(%run_scoped3A : memref<!tpu.dma_semaphore, #tpu.memory_space<semaphore_mem>>) src(%dma_wait3A_143 : memref<10112xi32, #tpu.memory_space<hbm>>) dst(%arg8 : memref<10112xi32, #tpu.memory_space<vmem>>)
      tpu.yield
    }) : () -> ()
    "tpu.region"() ({
      %run_scoped3A = tpu.sem_alloc : memref<!tpu.dma_semaphore, #tpu.memory_space<semaphore_mem>>
      %dma_start3A_132 = arith.constant 0 : i32
      %dma_start3A_133 = tpu.memref_slice %arg3[%add3A, %dma_start3A_132] : memref<32x10112xi32, #tpu.memory_space<hbm>> -> memref<1x10112xi32, #tpu.memory_space<hbm>>
      %dma_start3A_134 = tpu.memref_squeeze %dma_start3A_133 : memref<1x10112xi32, #tpu.memory_space<hbm>> -> memref<10112xi32, #tpu.memory_space<hbm>>
      %dma_start3A_135 = arith.constant 0 : i32
      %dma_start3A_136 = tpu.memref_slice %arg3[%add3A, %dma_start3A_135] : memref<32x10112xi32, #tpu.memory_space<hbm>> -> memref<1x10112xi32, #tpu.memory_space<hbm>>
      %dma_start3A_137 = tpu.memref_squeeze %dma_start3A_136 : memref<1x10112xi32, #tpu.memory_space<hbm>> -> memref<10112xi32, #tpu.memory_space<hbm>>
      tpu.enqueue_dma source(%dma_start3A_137 : memref<10112xi32, #tpu.memory_space<hbm>>) target(%arg9 : memref<10112xi32, #tpu.memory_space<vmem>>) target_semaphore(%run_scoped3A : memref<!tpu.dma_semaphore, #tpu.memory_space<semaphore_mem>>)
      %dma_wait3A_138 = arith.constant 0 : i32
      %dma_wait3A_139 = tpu.memref_slice %arg3[%add3A, %dma_wait3A_138] : memref<32x10112xi32, #tpu.memory_space<hbm>> -> memref<1x10112xi32, #tpu.memory_space<hbm>>
      %dma_wait3A_140 = tpu.memref_squeeze %dma_wait3A_139 : memref<1x10112xi32, #tpu.memory_space<hbm>> -> memref<10112xi32, #tpu.memory_space<hbm>>
      %dma_wait3A_141 = arith.constant 0 : i32
      %dma_wait3A_142 = tpu.memref_slice %arg3[%add3A, %dma_wait3A_141] : memref<32x10112xi32, #tpu.memory_space<hbm>> -> memref<1x10112xi32, #tpu.memory_space<hbm>>
      %dma_wait3A_143 = tpu.memref_squeeze %dma_wait3A_142 : memref<1x10112xi32, #tpu.memory_space<hbm>> -> memref<10112xi32, #tpu.memory_space<hbm>>
      tpu.wait_dma2 semaphore(%run_scoped3A : memref<!tpu.dma_semaphore, #tpu.memory_space<semaphore_mem>>) src(%dma_wait3A_143 : memref<10112xi32, #tpu.memory_space<hbm>>) dst(%arg9 : memref<10112xi32, #tpu.memory_space<vmem>>)
      tpu.yield
    }) : () -> ()
    "tpu.region"() ({
      %run_scoped3A = tpu.sem_alloc : memref<!tpu.dma_semaphore, #tpu.memory_space<semaphore_mem>>
      %dma_start3A_132 = arith.constant 0 : i32
      %dma_start3A_133 = arith.constant 0 : i32
      %dma_start3A_134 = tpu.memref_slice %arg5[%dma_start3A_132, %dma_start3A_133] : memref<10112x128xf32, #tpu.memory_space<hbm>> -> memref<80x128xf32, #tpu.memory_space<hbm>>
      %dma_start3A_135 = arith.constant 0 : i32
      %dma_start3A_136 = arith.constant 0 : i32
      %dma_start3A_137 = tpu.memref_slice %arg5[%dma_start3A_135, %dma_start3A_136] : memref<10112x128xf32, #tpu.memory_space<hbm>> -> memref<80x128xf32, #tpu.memory_space<hbm>>
      tpu.enqueue_dma source(%dma_start3A_137 : memref<80x128xf32, #tpu.memory_space<hbm>>) target(%arg13 : memref<80x128xf32, #tpu.memory_space<vmem>>) target_semaphore(%run_scoped3A : memref<!tpu.dma_semaphore, #tpu.memory_space<semaphore_mem>>)
      %dma_wait3A_138 = arith.constant 0 : i32
      %dma_wait3A_139 = arith.constant 0 : i32
      %dma_wait3A_140 = tpu.memref_slice %arg5[%dma_wait3A_138, %dma_wait3A_139] : memref<10112x128xf32, #tpu.memory_space<hbm>> -> memref<80x128xf32, #tpu.memory_space<hbm>>
      %dma_wait3A_141 = arith.constant 0 : i32
      %dma_wait3A_142 = arith.constant 0 : i32
      %dma_wait3A_143 = tpu.memref_slice %arg5[%dma_wait3A_141, %dma_wait3A_142] : memref<10112x128xf32, #tpu.memory_space<hbm>> -> memref<80x128xf32, #tpu.memory_space<hbm>>
      tpu.wait_dma2 semaphore(%run_scoped3A : memref<!tpu.dma_semaphore, #tpu.memory_space<semaphore_mem>>) src(%dma_wait3A_143 : memref<80x128xf32, #tpu.memory_space<hbm>>) dst(%arg13 : memref<80x128xf32, #tpu.memory_space<vmem>>)
      tpu.yield
    }) : () -> ()
    %barrier3A = arith.constant 0 : index
    tpu.barrier barrier_id(%barrier3A)
    %broadcast_in_dim3A = arith.constant 1.000000e+00 : f32
    %broadcast_in_dim3A_3 = vector.broadcast %broadcast_in_dim3A : f32 to vector<16xf32>
    %multiple_of3A = arith.constant 0 : i32
    %multiple_of3A_4 = tpu.assume_multiple %multiple_of3A, 64 : i32
    %dma_start3A = tpu.memref_slice %arg8[%multiple_of3A_4] : memref<10112xi32, #tpu.memory_space<vmem>> -> memref<64xi32, #tpu.memory_space<vmem>>
    %dma_start3A_5 = arith.constant 0 : i32
    %dma_start3A_6 = arith.constant 0 : i32
    %dma_start3A_7 = tpu.memref_slice %arg4[%dma_start3A_5, %dma_start3A_6] : memref<10000x128xf32, #tpu.memory_space<hbm>> -> memref<10000x128xf32, #tpu.memory_space<hbm>>
    tpu.enqueue_indirect_dma source(%dma_start3A_7 : memref<10000x128xf32, #tpu.memory_space<hbm>>) target(%arg10 : memref<64x128xf32, #tpu.memory_space<vmem>>) offsets(%dma_start3A : memref<64xi32, #tpu.memory_space<vmem>>) semaphore(%arg14 : memref<!tpu.dma_semaphore, #tpu.memory_space<semaphore_mem>>)
    %dma_wait3A = arith.constant 0 : i32
    %dma_wait3A_8 = arith.constant 0 : i32
    %dma_wait3A_9 = tpu.memref_slice %arg4[%dma_wait3A, %dma_wait3A_8] : memref<10000x128xf32, #tpu.memory_space<hbm>> -> memref<64x128xf32, #tpu.memory_space<hbm>>
    %dma_wait3A_10 = arith.constant 0 : i32
    %dma_wait3A_11 = arith.constant 0 : i32
    %dma_wait3A_12 = tpu.memref_slice %arg4[%dma_wait3A_10, %dma_wait3A_11] : memref<10000x128xf32, #tpu.memory_space<hbm>> -> memref<64x128xf32, #tpu.memory_space<hbm>>
    tpu.wait_dma2 semaphore(%arg14 : memref<!tpu.dma_semaphore, #tpu.memory_space<semaphore_mem>>) src(%dma_wait3A_12 : memref<64x128xf32, #tpu.memory_space<hbm>>) dst(%arg10 : memref<64x128xf32, #tpu.memory_space<vmem>>)
    %multiple_of3A_13 = arith.constant 0 : i32
    %multiple_of3A_14 = tpu.assume_multiple %multiple_of3A_13, 64 : i32
    %dma_start3A_15 = tpu.memref_slice %arg9[%multiple_of3A_14] : memref<10112xi32, #tpu.memory_space<vmem>> -> memref<64xi32, #tpu.memory_space<vmem>>
    %dma_start3A_16 = arith.constant 0 : i32
    %dma_start3A_17 = arith.constant 0 : i32
    %dma_start3A_18 = tpu.memref_slice %arg12[%dma_start3A_16, %dma_start3A_17] : memref<10112x128xf32, #tpu.memory_space<vmem_shared>> -> memref<10112x128xf32, #tpu.memory_space<vmem_shared>>
    tpu.enqueue_indirect_dma source(%arg10 : memref<64x128xf32, #tpu.memory_space<vmem>>) target(%dma_start3A_18 : memref<10112x128xf32, #tpu.memory_space<vmem_shared>>) offsets(%dma_start3A_15 : memref<64xi32, #tpu.memory_space<vmem>>) semaphore(%arg16 : memref<!tpu.dma_semaphore, #tpu.memory_space<semaphore_mem>>) {add = true}
    %multiple_of3A_19 = arith.constant 0 : i32
    %multiple_of3A_20 = tpu.assume_multiple %multiple_of3A_19, 16 : i32
    %get3A = arith.index_cast %multiple_of3A_20 : i32 to index
    %get3A_21 = tpu.vector_load %arg9[%get3A] {strides = array<i32>} : memref<10112xi32, #tpu.memory_space<vmem>>, vector<16xi32>,
    %shift_right_logical3A = arith.constant 7 : i32
    %shift_right_logical3A_22 = vector.broadcast %shift_right_logical3A : i32 to vector<16xi32>
    %shift_right_logical3A_23 = arith.shrui %get3A_21, %shift_right_logical3A_22 : vector<16xi32>
    %and3A = arith.constant 127 : i32
    %and3A_24 = vector.broadcast %and3A : i32 to vector<16xi32>
    %and3A_25 = arith.andi %get3A_21, %and3A_24 : vector<16xi32>
    tpu.vector_store_idx %arg13[%shift_right_logical3A_23, %and3A_25], %broadcast_in_dim3A_3 {add = true} : memref<80x128xf32, #tpu.memory_space<vmem>>[vector<16xi32>, vector<16xi32>], vector<16xf32>,
    %multiple_of3A_26 = arith.constant 16 : i32
    %multiple_of3A_27 = tpu.assume_multiple %multiple_of3A_26, 16 : i32
    %get3A_28 = arith.index_cast %multiple_of3A_27 : i32 to index
    %get3A_29 = tpu.vector_load %arg9[%get3A_28] {strides = array<i32>} : memref<10112xi32, #tpu.memory_space<vmem>>, vector<16xi32>,
    %shift_right_logical3A_30 = arith.constant 7 : i32
    %shift_right_logical3A_31 = vector.broadcast %shift_right_logical3A_30 : i32 to vector<16xi32>
    %shift_right_logical3A_32 = arith.shrui %get3A_29, %shift_right_logical3A_31 : vector<16xi32>
    %and3A_33 = arith.constant 127 : i32
    %and3A_34 = vector.broadcast %and3A_33 : i32 to vector<16xi32>
    %and3A_35 = arith.andi %get3A_29, %and3A_34 : vector<16xi32>
    tpu.vector_store_idx %arg13[%shift_right_logical3A_32, %and3A_35], %broadcast_in_dim3A_3 {add = true} : memref<80x128xf32, #tpu.memory_space<vmem>>[vector<16xi32>, vector<16xi32>], vector<16xf32>,
    %multiple_of3A_36 = arith.constant 32 : i32
    %multiple_of3A_37 = tpu.assume_multiple %multiple_of3A_36, 16 : i32
    %get3A_38 = arith.index_cast %multiple_of3A_37 : i32 to index
    %get3A_39 = tpu.vector_load %arg9[%get3A_38] {strides = array<i32>} : memref<10112xi32, #tpu.memory_space<vmem>>, vector<16xi32>,
    %shift_right_logical3A_40 = arith.constant 7 : i32
    %shift_right_logical3A_41 = vector.broadcast %shift_right_logical3A_40 : i32 to vector<16xi32>
    %shift_right_logical3A_42 = arith.shrui %get3A_39, %shift_right_logical3A_41 : vector<16xi32>
    %and3A_43 = arith.constant 127 : i32
    %and3A_44 = vector.broadcast %and3A_43 : i32 to vector<16xi32>
    %and3A_45 = arith.andi %get3A_39, %and3A_44 : vector<16xi32>
    tpu.vector_store_idx %arg13[%shift_right_logical3A_42, %and3A_45], %broadcast_in_dim3A_3 {add = true} : memref<80x128xf32, #tpu.memory_space<vmem>>[vector<16xi32>, vector<16xi32>], vector<16xf32>,
    %multiple_of3A_46 = arith.constant 48 : i32
    %multiple_of3A_47 = tpu.assume_multiple %multiple_of3A_46, 16 : i32
    %get3A_48 = arith.index_cast %multiple_of3A_47 : i32 to index
    %get3A_49 = tpu.vector_load %arg9[%get3A_48] {strides = array<i32>} : memref<10112xi32, #tpu.memory_space<vmem>>, vector<16xi32>,
    %shift_right_logical3A_50 = arith.constant 7 : i32
    %shift_right_logical3A_51 = vector.broadcast %shift_right_logical3A_50 : i32 to vector<16xi32>
    %shift_right_logical3A_52 = arith.shrui %get3A_49, %shift_right_logical3A_51 : vector<16xi32>
    %and3A_53 = arith.constant 127 : i32
    %and3A_54 = vector.broadcast %and3A_53 : i32 to vector<16xi32>
    %and3A_55 = arith.andi %get3A_49, %and3A_54 : vector<16xi32>
    tpu.vector_store_idx %arg13[%shift_right_logical3A_52, %and3A_55], %broadcast_in_dim3A_3 {add = true} : memref<80x128xf32, #tpu.memory_space<vmem>>[vector<16xi32>, vector<16xi32>], vector<16xf32>,
    %multiple_of3A_56 = arith.constant 64 : i32
    %multiple_of3A_57 = tpu.assume_multiple %multiple_of3A_56, 64 : i32
    %dma_start3A_58 = tpu.memref_slice %arg8[%multiple_of3A_57] : memref<10112xi32, #tpu.memory_space<vmem>> -> memref<64xi32, #tpu.memory_space<vmem>>
    %dma_start3A_59 = arith.constant 0 : i32
    %dma_start3A_60 = arith.constant 0 : i32
    %dma_start3A_61 = tpu.memref_slice %arg4[%dma_start3A_59, %dma_start3A_60] : memref<10000x128xf32, #tpu.memory_space<hbm>> -> memref<10000x128xf32, #tpu.memory_space<hbm>>
    tpu.enqueue_indirect_dma source(%dma_start3A_61 : memref<10000x128xf32, #tpu.memory_space<hbm>>) target(%arg11 : memref<64x128xf32, #tpu.memory_space<vmem>>) offsets(%dma_start3A_58 : memref<64xi32, #tpu.memory_space<vmem>>) semaphore(%arg15 : memref<!tpu.dma_semaphore, #tpu.memory_space<semaphore_mem>>)
    %scan3A = arith.constant 0 : i32
    %scan3A_62 = arith.constant 0 : i32
    %scan3A_63 = arith.constant 78 : i32
    %scan3A_64 = arith.addi %scan3A_62, %scan3A_63 : i32
    %scan3A_65 = arith.constant 1 : i32
    scf.for %scan3A_132 = %scan3A_62 to %scan3A_64 step %scan3A_65  : i32 {
      %mul3A_133 = arith.constant 2 : i32
      %mul3A_134 = arith.muli %mul3A_133, %scan3A_132 : i32
      %dma_wait3A_135 = arith.constant 0 : i32
      %dma_wait3A_136 = arith.constant 0 : i32
      %dma_wait3A_137 = tpu.memref_slice %arg4[%dma_wait3A_135, %dma_wait3A_136] : memref<10000x128xf32, #tpu.memory_space<hbm>> -> memref<64x128xf32, #tpu.memory_space<hbm>>
      %dma_wait3A_138 = arith.constant 0 : i32
      %dma_wait3A_139 = arith.constant 0 : i32
      %dma_wait3A_140 = tpu.memref_slice %arg4[%dma_wait3A_138, %dma_wait3A_139] : memref<10000x128xf32, #tpu.memory_space<hbm>> -> memref<64x128xf32, #tpu.memory_space<hbm>>
      tpu.wait_dma2 semaphore(%arg15 : memref<!tpu.dma_semaphore, #tpu.memory_space<semaphore_mem>>) src(%dma_wait3A_140 : memref<64x128xf32, #tpu.memory_space<hbm>>) dst(%arg11 : memref<64x128xf32, #tpu.memory_space<vmem>>)
      %add3A_141 = arith.constant 1 : i32
      %add3A_142 = arith.addi %mul3A_134, %add3A_141 : i32
      %mul3A_143 = arith.constant 64 : i32
      %mul3A_144 = arith.muli %add3A_142, %mul3A_143 : i32
      %multiple_of3A_145 = tpu.assume_multiple %mul3A_144, 64 : i32
      %dma_start3A_146 = tpu.memref_slice %arg9[%multiple_of3A_145] : memref<10112xi32, #tpu.memory_space<vmem>> -> memref<64xi32, #tpu.memory_space<vmem>>
      %dma_start3A_147 = arith.constant 0 : i32
      %dma_start3A_148 = arith.constant 0 : i32
      %dma_start3A_149 = tpu.memref_slice %arg12[%dma_start3A_147, %dma_start3A_148] : memref<10112x128xf32, #tpu.memory_space<vmem_shared>> -> memref<10112x128xf32, #tpu.memory_space<vmem_shared>>
      tpu.enqueue_indirect_dma source(%arg11 : memref<64x128xf32, #tpu.memory_space<vmem>>) target(%dma_start3A_149 : memref<10112x128xf32, #tpu.memory_space<vmem_shared>>) offsets(%dma_start3A_146 : memref<64xi32, #tpu.memory_space<vmem>>) semaphore(%arg17 : memref<!tpu.dma_semaphore, #tpu.memory_space<semaphore_mem>>) {add = true}
      %dma_wait3A_150 = arith.constant 0 : i32
      %dma_wait3A_151 = arith.constant 0 : i32
      %dma_wait3A_152 = tpu.memref_slice %arg12[%dma_wait3A_150, %dma_wait3A_151] : memref<10112x128xf32, #tpu.memory_space<vmem_shared>> -> memref<64x128xf32, #tpu.memory_space<vmem_shared>>
      %dma_wait3A_153 = arith.constant 0 : i32
      %dma_wait3A_154 = arith.constant 0 : i32
      %dma_wait3A_155 = tpu.memref_slice %arg12[%dma_wait3A_153, %dma_wait3A_154] : memref<10112x128xf32, #tpu.memory_space<vmem_shared>> -> memref<64x128xf32, #tpu.memory_space<vmem_shared>>
      tpu.wait_dma2 semaphore(%arg16 : memref<!tpu.dma_semaphore, #tpu.memory_space<semaphore_mem>>) src(%arg10 : memref<64x128xf32, #tpu.memory_space<vmem>>) dst(%dma_wait3A_155 : memref<64x128xf32, #tpu.memory_space<vmem_shared>>)
      %add3A_156 = arith.constant 2 : i32
      %add3A_157 = arith.addi %mul3A_134, %add3A_156 : i32
      %mul3A_158 = arith.constant 64 : i32
      %mul3A_159 = arith.muli %add3A_157, %mul3A_158 : i32
      %multiple_of3A_160 = tpu.assume_multiple %mul3A_159, 64 : i32
      %dma_start3A_161 = tpu.memref_slice %arg8[%multiple_of3A_160] : memref<10112xi32, #tpu.memory_space<vmem>> -> memref<64xi32, #tpu.memory_space<vmem>>
      %dma_start3A_162 = arith.constant 0 : i32
      %dma_start3A_163 = arith.constant 0 : i32
      %dma_start3A_164 = tpu.memref_slice %arg4[%dma_start3A_162, %dma_start3A_163] : memref<10000x128xf32, #tpu.memory_space<hbm>> -> memref<10000x128xf32, #tpu.memory_space<hbm>>
      tpu.enqueue_indirect_dma source(%dma_start3A_164 : memref<10000x128xf32, #tpu.memory_space<hbm>>) target(%arg10 : memref<64x128xf32, #tpu.memory_space<vmem>>) offsets(%dma_start3A_161 : memref<64xi32, #tpu.memory_space<vmem>>) semaphore(%arg14 : memref<!tpu.dma_semaphore, #tpu.memory_space<semaphore_mem>>)
      %add3A_165 = arith.constant 1 : i32
      %add3A_166 = arith.addi %mul3A_134, %add3A_165 : i32
      %mul3A_167 = arith.constant 64 : i32
      %mul3A_168 = arith.muli %add3A_166, %mul3A_167 : i32
      %add3A_169 = arith.constant 0 : i32
      %add3A_170 = arith.addi %mul3A_168, %add3A_169 : i32
      %multiple_of3A_171 = tpu.assume_multiple %add3A_170, 16 : i32
      %get3A_172 = arith.index_cast %multiple_of3A_171 : i32 to index
      %get3A_173 = tpu.vector_load %arg9[%get3A_172] {strides = array<i32>} : memref<10112xi32, #tpu.memory_space<vmem>>, vector<16xi32>,
      %shift_right_logical3A_174 = arith.constant 7 : i32
      %shift_right_logical3A_175 = vector.broadcast %shift_right_logical3A_174 : i32 to vector<16xi32>
      %shift_right_logical3A_176 = arith.shrui %get3A_173, %shift_right_logical3A_175 : vector<16xi32>
      %and3A_177 = arith.constant 127 : i32
      %and3A_178 = vector.broadcast %and3A_177 : i32 to vector<16xi32>
      %and3A_179 = arith.andi %get3A_173, %and3A_178 : vector<16xi32>
      tpu.vector_store_idx %arg13[%shift_right_logical3A_176, %and3A_179], %broadcast_in_dim3A_3 {add = true} : memref<80x128xf32, #tpu.memory_space<vmem>>[vector<16xi32>, vector<16xi32>], vector<16xf32>,
      %mul3A_180 = arith.constant 64 : i32
      %mul3A_181 = arith.muli %add3A_166, %mul3A_180 : i32
      %add3A_182 = arith.constant 16 : i32
      %add3A_183 = arith.addi %mul3A_181, %add3A_182 : i32
      %multiple_of3A_184 = tpu.assume_multiple %add3A_183, 16 : i32
      %get3A_185 = arith.index_cast %multiple_of3A_184 : i32 to index
      %get3A_186 = tpu.vector_load %arg9[%get3A_185] {strides = array<i32>} : memref<10112xi32, #tpu.memory_space<vmem>>, vector<16xi32>,
      %shift_right_logical3A_187 = arith.constant 7 : i32
      %shift_right_logical3A_188 = vector.broadcast %shift_right_logical3A_187 : i32 to vector<16xi32>
      %shift_right_logical3A_189 = arith.shrui %get3A_186, %shift_right_logical3A_188 : vector<16xi32>
      %and3A_190 = arith.constant 127 : i32
      %and3A_191 = vector.broadcast %and3A_190 : i32 to vector<16xi32>
      %and3A_192 = arith.andi %get3A_186, %and3A_191 : vector<16xi32>
      tpu.vector_store_idx %arg13[%shift_right_logical3A_189, %and3A_192], %broadcast_in_dim3A_3 {add = true} : memref<80x128xf32, #tpu.memory_space<vmem>>[vector<16xi32>, vector<16xi32>], vector<16xf32>,
      %mul3A_193 = arith.constant 64 : i32
      %mul3A_194 = arith.muli %add3A_166, %mul3A_193 : i32
      %add3A_195 = arith.constant 32 : i32
      %add3A_196 = arith.addi %mul3A_194, %add3A_195 : i32
      %multiple_of3A_197 = tpu.assume_multiple %add3A_196, 16 : i32
      %get3A_198 = arith.index_cast %multiple_of3A_197 : i32 to index
      %get3A_199 = tpu.vector_load %arg9[%get3A_198] {strides = array<i32>} : memref<10112xi32, #tpu.memory_space<vmem>>, vector<16xi32>,
      %shift_right_logical3A_200 = arith.constant 7 : i32
      %shift_right_logical3A_201 = vector.broadcast %shift_right_logical3A_200 : i32 to vector<16xi32>
      %shift_right_logical3A_202 = arith.shrui %get3A_199, %shift_right_logical3A_201 : vector<16xi32>
      %and3A_203 = arith.constant 127 : i32
      %and3A_204 = vector.broadcast %and3A_203 : i32 to vector<16xi32>
      %and3A_205 = arith.andi %get3A_199, %and3A_204 : vector<16xi32>
      tpu.vector_store_idx %arg13[%shift_right_logical3A_202, %and3A_205], %broadcast_in_dim3A_3 {add = true} : memref<80x128xf32, #tpu.memory_space<vmem>>[vector<16xi32>, vector<16xi32>], vector<16xf32>,
      %mul3A_206 = arith.constant 64 : i32
      %mul3A_207 = arith.muli %add3A_166, %mul3A_206 : i32
      %add3A_208 = arith.constant 48 : i32
      %add3A_209 = arith.addi %mul3A_207, %add3A_208 : i32
      %multiple_of3A_210 = tpu.assume_multiple %add3A_209, 16 : i32
      %get3A_211 = arith.index_cast %multiple_of3A_210 : i32 to index
      %get3A_212 = tpu.vector_load %arg9[%get3A_211] {strides = array<i32>} : memref<10112xi32, #tpu.memory_space<vmem>>, vector<16xi32>,
      %shift_right_logical3A_213 = arith.constant 7 : i32
      %shift_right_logical3A_214 = vector.broadcast %shift_right_logical3A_213 : i32 to vector<16xi32>
      %shift_right_logical3A_215 = arith.shrui %get3A_212, %shift_right_logical3A_214 : vector<16xi32>
      %and3A_216 = arith.constant 127 : i32
      %and3A_217 = vector.broadcast %and3A_216 : i32 to vector<16xi32>
      %and3A_218 = arith.andi %get3A_212, %and3A_217 : vector<16xi32>
      tpu.vector_store_idx %arg13[%shift_right_logical3A_215, %and3A_218], %broadcast_in_dim3A_3 {add = true} : memref<80x128xf32, #tpu.memory_space<vmem>>[vector<16xi32>, vector<16xi32>], vector<16xf32>,
      %dma_wait3A_219 = arith.constant 0 : i32
      %dma_wait3A_220 = arith.constant 0 : i32
      %dma_wait3A_221 = tpu.memref_slice %arg4[%dma_wait3A_219, %dma_wait3A_220] : memref<10000x128xf32, #tpu.memory_space<hbm>> -> memref<64x128xf32, #tpu.memory_space<hbm>>
      %dma_wait3A_222 = arith.constant 0 : i32
      %dma_wait3A_223 = arith.constant 0 : i32
      %dma_wait3A_224 = tpu.memref_slice %arg4[%dma_wait3A_222, %dma_wait3A_223] : memref<10000x128xf32, #tpu.memory_space<hbm>> -> memref<64x128xf32, #tpu.memory_space<hbm>>
      tpu.wait_dma2 semaphore(%arg14 : memref<!tpu.dma_semaphore, #tpu.memory_space<semaphore_mem>>) src(%dma_wait3A_224 : memref<64x128xf32, #tpu.memory_space<hbm>>) dst(%arg10 : memref<64x128xf32, #tpu.memory_space<vmem>>)
      %add3A_225 = arith.constant 2 : i32
      %add3A_226 = arith.addi %mul3A_134, %add3A_225 : i32
      %mul3A_227 = arith.constant 64 : i32
      %mul3A_228 = arith.muli %add3A_226, %mul3A_227 : i32
      %multiple_of3A_229 = tpu.assume_multiple %mul3A_228, 64 : i32
      %dma_start3A_230 = tpu.memref_slice %arg9[%multiple_of3A_229] : memref<10112xi32, #tpu.memory_space<vmem>> -> memref<64xi32, #tpu.memory_space<vmem>>
      %dma_start3A_231 = arith.constant 0 : i32
      %dma_start3A_232 = arith.constant 0 : i32
      %dma_start3A_233 = tpu.memref_slice %arg12[%dma_start3A_231, %dma_start3A_232] : memref<10112x128xf32, #tpu.memory_space<vmem_shared>> -> memref<10112x128xf32, #tpu.memory_space<vmem_shared>>
      tpu.enqueue_indirect_dma source(%arg10 : memref<64x128xf32, #tpu.memory_space<vmem>>) target(%dma_start3A_233 : memref<10112x128xf32, #tpu.memory_space<vmem_shared>>) offsets(%dma_start3A_230 : memref<64xi32, #tpu.memory_space<vmem>>) semaphore(%arg16 : memref<!tpu.dma_semaphore, #tpu.memory_space<semaphore_mem>>) {add = true}
      %dma_wait3A_234 = arith.constant 0 : i32
      %dma_wait3A_235 = arith.constant 0 : i32
      %dma_wait3A_236 = tpu.memref_slice %arg12[%dma_wait3A_234, %dma_wait3A_235] : memref<10112x128xf32, #tpu.memory_space<vmem_shared>> -> memref<64x128xf32, #tpu.memory_space<vmem_shared>>
      %dma_wait3A_237 = arith.constant 0 : i32
      %dma_wait3A_238 = arith.constant 0 : i32
      %dma_wait3A_239 = tpu.memref_slice %arg12[%dma_wait3A_237, %dma_wait3A_238] : memref<10112x128xf32, #tpu.memory_space<vmem_shared>> -> memref<64x128xf32, #tpu.memory_space<vmem_shared>>
      tpu.wait_dma2 semaphore(%arg17 : memref<!tpu.dma_semaphore, #tpu.memory_space<semaphore_mem>>) src(%arg11 : memref<64x128xf32, #tpu.memory_space<vmem>>) dst(%dma_wait3A_239 : memref<64x128xf32, #tpu.memory_space<vmem_shared>>)
      %add3A_240 = arith.constant 3 : i32
      %add3A_241 = arith.addi %mul3A_134, %add3A_240 : i32
      %mul3A_242 = arith.constant 64 : i32
      %mul3A_243 = arith.muli %add3A_241, %mul3A_242 : i32
      %multiple_of3A_244 = tpu.assume_multiple %mul3A_243, 64 : i32
      %dma_start3A_245 = tpu.memref_slice %arg8[%multiple_of3A_244] : memref<10112xi32, #tpu.memory_space<vmem>> -> memref<64xi32, #tpu.memory_space<vmem>>
      %dma_start3A_246 = arith.constant 0 : i32
      %dma_start3A_247 = arith.constant 0 : i32
      %dma_start3A_248 = tpu.memref_slice %arg4[%dma_start3A_246, %dma_start3A_247] : memref<10000x128xf32, #tpu.memory_space<hbm>> -> memref<10000x128xf32, #tpu.memory_space<hbm>>
      tpu.enqueue_indirect_dma source(%dma_start3A_248 : memref<10000x128xf32, #tpu.memory_space<hbm>>) target(%arg11 : memref<64x128xf32, #tpu.memory_space<vmem>>) offsets(%dma_start3A_245 : memref<64xi32, #tpu.memory_space<vmem>>) semaphore(%arg15 : memref<!tpu.dma_semaphore, #tpu.memory_space<semaphore_mem>>)
      %add3A_249 = arith.constant 2 : i32
      %add3A_250 = arith.addi %mul3A_134, %add3A_249 : i32
      %mul3A_251 = arith.constant 64 : i32
      %mul3A_252 = arith.muli %add3A_250, %mul3A_251 : i32
      %add3A_253 = arith.constant 0 : i32
      %add3A_254 = arith.addi %mul3A_252, %add3A_253 : i32
      %multiple_of3A_255 = tpu.assume_multiple %add3A_254, 16 : i32
      %get3A_256 = arith.index_cast %multiple_of3A_255 : i32 to index
      %get3A_257 = tpu.vector_load %arg9[%get3A_256] {strides = array<i32>} : memref<10112xi32, #tpu.memory_space<vmem>>, vector<16xi32>,
      %shift_right_logical3A_258 = arith.constant 7 : i32
      %shift_right_logical3A_259 = vector.broadcast %shift_right_logical3A_258 : i32 to vector<16xi32>
      %shift_right_logical3A_260 = arith.shrui %get3A_257, %shift_right_logical3A_259 : vector<16xi32>
      %and3A_261 = arith.constant 127 : i32
      %and3A_262 = vector.broadcast %and3A_261 : i32 to vector<16xi32>
      %and3A_263 = arith.andi %get3A_257, %and3A_262 : vector<16xi32>
      tpu.vector_store_idx %arg13[%shift_right_logical3A_260, %and3A_263], %broadcast_in_dim3A_3 {add = true} : memref<80x128xf32, #tpu.memory_space<vmem>>[vector<16xi32>, vector<16xi32>], vector<16xf32>,
      %mul3A_264 = arith.constant 64 : i32
      %mul3A_265 = arith.muli %add3A_250, %mul3A_264 : i32
      %add3A_266 = arith.constant 16 : i32
      %add3A_267 = arith.addi %mul3A_265, %add3A_266 : i32
      %multiple_of3A_268 = tpu.assume_multiple %add3A_267, 16 : i32
      %get3A_269 = arith.index_cast %multiple_of3A_268 : i32 to index
      %get3A_270 = tpu.vector_load %arg9[%get3A_269] {strides = array<i32>} : memref<10112xi32, #tpu.memory_space<vmem>>, vector<16xi32>,
      %shift_right_logical3A_271 = arith.constant 7 : i32
      %shift_right_logical3A_272 = vector.broadcast %shift_right_logical3A_271 : i32 to vector<16xi32>
      %shift_right_logical3A_273 = arith.shrui %get3A_270, %shift_right_logical3A_272 : vector<16xi32>
      %and3A_274 = arith.constant 127 : i32
      %and3A_275 = vector.broadcast %and3A_274 : i32 to vector<16xi32>
      %and3A_276 = arith.andi %get3A_270, %and3A_275 : vector<16xi32>
      tpu.vector_store_idx %arg13[%shift_right_logical3A_273, %and3A_276], %broadcast_in_dim3A_3 {add = true} : memref<80x128xf32, #tpu.memory_space<vmem>>[vector<16xi32>, vector<16xi32>], vector<16xf32>,
      %mul3A_277 = arith.constant 64 : i32
      %mul3A_278 = arith.muli %add3A_250, %mul3A_277 : i32
      %add3A_279 = arith.constant 32 : i32
      %add3A_280 = arith.addi %mul3A_278, %add3A_279 : i32
      %multiple_of3A_281 = tpu.assume_multiple %add3A_280, 16 : i32
      %get3A_282 = arith.index_cast %multiple_of3A_281 : i32 to index
      %get3A_283 = tpu.vector_load %arg9[%get3A_282] {strides = array<i32>} : memref<10112xi32, #tpu.memory_space<vmem>>, vector<16xi32>,
      %shift_right_logical3A_284 = arith.constant 7 : i32
      %shift_right_logical3A_285 = vector.broadcast %shift_right_logical3A_284 : i32 to vector<16xi32>
      %shift_right_logical3A_286 = arith.shrui %get3A_283, %shift_right_logical3A_285 : vector<16xi32>
      %and3A_287 = arith.constant 127 : i32
      %and3A_288 = vector.broadcast %and3A_287 : i32 to vector<16xi32>
      %and3A_289 = arith.andi %get3A_283, %and3A_288 : vector<16xi32>
      tpu.vector_store_idx %arg13[%shift_right_logical3A_286, %and3A_289], %broadcast_in_dim3A_3 {add = true} : memref<80x128xf32, #tpu.memory_space<vmem>>[vector<16xi32>, vector<16xi32>], vector<16xf32>,
      %mul3A_290 = arith.constant 64 : i32
      %mul3A_291 = arith.muli %add3A_250, %mul3A_290 : i32
      %add3A_292 = arith.constant 48 : i32
      %add3A_293 = arith.addi %mul3A_291, %add3A_292 : i32
      %multiple_of3A_294 = tpu.assume_multiple %add3A_293, 16 : i32
      %get3A_295 = arith.index_cast %multiple_of3A_294 : i32 to index
      %get3A_296 = tpu.vector_load %arg9[%get3A_295] {strides = array<i32>} : memref<10112xi32, #tpu.memory_space<vmem>>, vector<16xi32>,
      %shift_right_logical3A_297 = arith.constant 7 : i32
      %shift_right_logical3A_298 = vector.broadcast %shift_right_logical3A_297 : i32 to vector<16xi32>
      %shift_right_logical3A_299 = arith.shrui %get3A_296, %shift_right_logical3A_298 : vector<16xi32>
      %and3A_300 = arith.constant 127 : i32
      %and3A_301 = vector.broadcast %and3A_300 : i32 to vector<16xi32>
      %and3A_302 = arith.andi %get3A_296, %and3A_301 : vector<16xi32>
      tpu.vector_store_idx %arg13[%shift_right_logical3A_299, %and3A_302], %broadcast_in_dim3A_3 {add = true} : memref<80x128xf32, #tpu.memory_space<vmem>>[vector<16xi32>, vector<16xi32>], vector<16xf32>,
    }
    %scan3A_66 = arith.constant 78 : i32
    %dma_wait3A_67 = arith.constant 0 : i32
    %dma_wait3A_68 = arith.constant 0 : i32
    %dma_wait3A_69 = tpu.memref_slice %arg4[%dma_wait3A_67, %dma_wait3A_68] : memref<10000x128xf32, #tpu.memory_space<hbm>> -> memref<64x128xf32, #tpu.memory_space<hbm>>
    %dma_wait3A_70 = arith.constant 0 : i32
    %dma_wait3A_71 = arith.constant 0 : i32
    %dma_wait3A_72 = tpu.memref_slice %arg4[%dma_wait3A_70, %dma_wait3A_71] : memref<10000x128xf32, #tpu.memory_space<hbm>> -> memref<64x128xf32, #tpu.memory_space<hbm>>
    tpu.wait_dma2 semaphore(%arg15 : memref<!tpu.dma_semaphore, #tpu.memory_space<semaphore_mem>>) src(%dma_wait3A_72 : memref<64x128xf32, #tpu.memory_space<hbm>>) dst(%arg11 : memref<64x128xf32, #tpu.memory_space<vmem>>)
    %multiple_of3A_73 = arith.constant 10048 : i32
    %multiple_of3A_74 = tpu.assume_multiple %multiple_of3A_73, 64 : i32
    %dma_start3A_75 = tpu.memref_slice %arg9[%multiple_of3A_74] : memref<10112xi32, #tpu.memory_space<vmem>> -> memref<64xi32, #tpu.memory_space<vmem>>
    %dma_start3A_76 = arith.constant 0 : i32
    %dma_start3A_77 = arith.constant 0 : i32
    %dma_start3A_78 = tpu.memref_slice %arg12[%dma_start3A_76, %dma_start3A_77] : memref<10112x128xf32, #tpu.memory_space<vmem_shared>> -> memref<10112x128xf32, #tpu.memory_space<vmem_shared>>
    tpu.enqueue_indirect_dma source(%arg11 : memref<64x128xf32, #tpu.memory_space<vmem>>) target(%dma_start3A_78 : memref<10112x128xf32, #tpu.memory_space<vmem_shared>>) offsets(%dma_start3A_75 : memref<64xi32, #tpu.memory_space<vmem>>) semaphore(%arg17 : memref<!tpu.dma_semaphore, #tpu.memory_space<semaphore_mem>>) {add = true}
    %multiple_of3A_79 = arith.constant 10048 : i32
    %multiple_of3A_80 = tpu.assume_multiple %multiple_of3A_79, 16 : i32
    %get3A_81 = arith.index_cast %multiple_of3A_80 : i32 to index
    %get3A_82 = tpu.vector_load %arg9[%get3A_81] {strides = array<i32>} : memref<10112xi32, #tpu.memory_space<vmem>>, vector<16xi32>,
    %shift_right_logical3A_83 = arith.constant 7 : i32
    %shift_right_logical3A_84 = vector.broadcast %shift_right_logical3A_83 : i32 to vector<16xi32>
    %shift_right_logical3A_85 = arith.shrui %get3A_82, %shift_right_logical3A_84 : vector<16xi32>
    %and3A_86 = arith.constant 127 : i32
    %and3A_87 = vector.broadcast %and3A_86 : i32 to vector<16xi32>
    %and3A_88 = arith.andi %get3A_82, %and3A_87 : vector<16xi32>
    tpu.vector_store_idx %arg13[%shift_right_logical3A_85, %and3A_88], %broadcast_in_dim3A_3 {add = true} : memref<80x128xf32, #tpu.memory_space<vmem>>[vector<16xi32>, vector<16xi32>], vector<16xf32>,
    %multiple_of3A_89 = arith.constant 10064 : i32
    %multiple_of3A_90 = tpu.assume_multiple %multiple_of3A_89, 16 : i32
    %get3A_91 = arith.index_cast %multiple_of3A_90 : i32 to index
    %get3A_92 = tpu.vector_load %arg9[%get3A_91] {strides = array<i32>} : memref<10112xi32, #tpu.memory_space<vmem>>, vector<16xi32>,
    %shift_right_logical3A_93 = arith.constant 7 : i32
    %shift_right_logical3A_94 = vector.broadcast %shift_right_logical3A_93 : i32 to vector<16xi32>
    %shift_right_logical3A_95 = arith.shrui %get3A_92, %shift_right_logical3A_94 : vector<16xi32>
    %and3A_96 = arith.constant 127 : i32
    %and3A_97 = vector.broadcast %and3A_96 : i32 to vector<16xi32>
    %and3A_98 = arith.andi %get3A_92, %and3A_97 : vector<16xi32>
    tpu.vector_store_idx %arg13[%shift_right_logical3A_95, %and3A_98], %broadcast_in_dim3A_3 {add = true} : memref<80x128xf32, #tpu.memory_space<vmem>>[vector<16xi32>, vector<16xi32>], vector<16xf32>,
    %multiple_of3A_99 = arith.constant 10080 : i32
    %multiple_of3A_100 = tpu.assume_multiple %multiple_of3A_99, 16 : i32
    %get3A_101 = arith.index_cast %multiple_of3A_100 : i32 to index
    %get3A_102 = tpu.vector_load %arg9[%get3A_101] {strides = array<i32>} : memref<10112xi32, #tpu.memory_space<vmem>>, vector<16xi32>,
    %shift_right_logical3A_103 = arith.constant 7 : i32
    %shift_right_logical3A_104 = vector.broadcast %shift_right_logical3A_103 : i32 to vector<16xi32>
    %shift_right_logical3A_105 = arith.shrui %get3A_102, %shift_right_logical3A_104 : vector<16xi32>
    %and3A_106 = arith.constant 127 : i32
    %and3A_107 = vector.broadcast %and3A_106 : i32 to vector<16xi32>
    %and3A_108 = arith.andi %get3A_102, %and3A_107 : vector<16xi32>
    tpu.vector_store_idx %arg13[%shift_right_logical3A_105, %and3A_108], %broadcast_in_dim3A_3 {add = true} : memref<80x128xf32, #tpu.memory_space<vmem>>[vector<16xi32>, vector<16xi32>], vector<16xf32>,
    %multiple_of3A_109 = arith.constant 10096 : i32
    %multiple_of3A_110 = tpu.assume_multiple %multiple_of3A_109, 16 : i32
    %get3A_111 = arith.index_cast %multiple_of3A_110 : i32 to index
    %get3A_112 = tpu.vector_load %arg9[%get3A_111] {strides = array<i32>} : memref<10112xi32, #tpu.memory_space<vmem>>, vector<16xi32>,
    %shift_right_logical3A_113 = arith.constant 7 : i32
    %shift_right_logical3A_114 = vector.broadcast %shift_right_logical3A_113 : i32 to vector<16xi32>
    %shift_right_logical3A_115 = arith.shrui %get3A_112, %shift_right_logical3A_114 : vector<16xi32>
    %and3A_116 = arith.constant 127 : i32
    %and3A_117 = vector.broadcast %and3A_116 : i32 to vector<16xi32>
    %and3A_118 = arith.andi %get3A_112, %and3A_117 : vector<16xi32>
    tpu.vector_store_idx %arg13[%shift_right_logical3A_115, %and3A_118], %broadcast_in_dim3A_3 {add = true} : memref<80x128xf32, #tpu.memory_space<vmem>>[vector<16xi32>, vector<16xi32>], vector<16xf32>,
    %dma_wait3A_119 = arith.constant 0 : i32
    %dma_wait3A_120 = arith.constant 0 : i32
    %dma_wait3A_121 = tpu.memref_slice %arg12[%dma_wait3A_119, %dma_wait3A_120] : memref<10112x128xf32, #tpu.memory_space<vmem_shared>> -> memref<64x128xf32, #tpu.memory_space<vmem_shared>>
    %dma_wait3A_122 = arith.constant 0 : i32
    %dma_wait3A_123 = arith.constant 0 : i32
    %dma_wait3A_124 = tpu.memref_slice %arg12[%dma_wait3A_122, %dma_wait3A_123] : memref<10112x128xf32, #tpu.memory_space<vmem_shared>> -> memref<64x128xf32, #tpu.memory_space<vmem_shared>>
    tpu.wait_dma2 semaphore(%arg16 : memref<!tpu.dma_semaphore, #tpu.memory_space<semaphore_mem>>) src(%arg10 : memref<64x128xf32, #tpu.memory_space<vmem>>) dst(%dma_wait3A_124 : memref<64x128xf32, #tpu.memory_space<vmem_shared>>)
    %dma_wait3A_125 = arith.constant 0 : i32
    %dma_wait3A_126 = arith.constant 0 : i32
    %dma_wait3A_127 = tpu.memref_slice %arg12[%dma_wait3A_125, %dma_wait3A_126] : memref<10112x128xf32, #tpu.memory_space<vmem_shared>> -> memref<64x128xf32, #tpu.memory_space<vmem_shared>>
    %dma_wait3A_128 = arith.constant 0 : i32
    %dma_wait3A_129 = arith.constant 0 : i32
    %dma_wait3A_130 = tpu.memref_slice %arg12[%dma_wait3A_128, %dma_wait3A_129] : memref<10112x128xf32, #tpu.memory_space<vmem_shared>> -> memref<64x128xf32, #tpu.memory_space<vmem_shared>>
    tpu.wait_dma2 semaphore(%arg17 : memref<!tpu.dma_semaphore, #tpu.memory_space<semaphore_mem>>) src(%arg11 : memref<64x128xf32, #tpu.memory_space<vmem>>) dst(%dma_wait3A_130 : memref<64x128xf32, #tpu.memory_space<vmem_shared>>)
    %barrier3A_131 = arith.constant 0 : index
    tpu.barrier barrier_id(%barrier3A_131)
    "tpu.region"() ({
      %run_scoped3A = tpu.sem_alloc : memref<!tpu.dma_semaphore, #tpu.memory_space<semaphore_mem>>
      %dma_start3A_132 = arith.constant 0 : i32
      %dma_start3A_133 = tpu.memref_slice %arg6[%arg0, %mul3A_2, %dma_start3A_132] : memref<2x10112x128xf32, #tpu.memory_space<hbm>> -> memref<1x632x128xf32, #tpu.memory_space<hbm>>
      %dma_start3A_134 = tpu.memref_squeeze %dma_start3A_133 : memref<1x632x128xf32, #tpu.memory_space<hbm>> -> memref<632x128xf32, #tpu.memory_space<hbm>>
      %dma_start3A_135 = arith.constant 0 : i32
      %dma_start3A_136 = tpu.memref_slice %arg12[%mul3A_2, %dma_start3A_135] : memref<10112x128xf32, #tpu.memory_space<vmem_shared>> -> memref<632x128xf32, #tpu.memory_space<vmem_shared>>
      tpu.enqueue_dma source(%dma_start3A_136 : memref<632x128xf32, #tpu.memory_space<vmem_shared>>) target(%dma_start3A_134 : memref<632x128xf32, #tpu.memory_space<hbm>>) target_semaphore(%run_scoped3A : memref<!tpu.dma_semaphore, #tpu.memory_space<semaphore_mem>>)
      %dma_wait3A_137 = arith.constant 0 : i32
      %dma_wait3A_138 = tpu.memref_slice %arg6[%arg0, %mul3A_2, %dma_wait3A_137] : memref<2x10112x128xf32, #tpu.memory_space<hbm>> -> memref<1x632x128xf32, #tpu.memory_space<hbm>>
      %dma_wait3A_139 = tpu.memref_squeeze %dma_wait3A_138 : memref<1x632x128xf32, #tpu.memory_space<hbm>> -> memref<632x128xf32, #tpu.memory_space<hbm>>
      %dma_wait3A_140 = arith.constant 0 : i32
      %dma_wait3A_141 = tpu.memref_slice %arg12[%mul3A_2, %dma_wait3A_140] : memref<10112x128xf32, #tpu.memory_space<vmem_shared>> -> memref<632x128xf32, #tpu.memory_space<vmem_shared>>
      tpu.wait_dma2 semaphore(%run_scoped3A : memref<!tpu.dma_semaphore, #tpu.memory_space<semaphore_mem>>) src(%dma_wait3A_141 : memref<632x128xf32, #tpu.memory_space<vmem_shared>>) dst(%dma_wait3A_139 : memref<632x128xf32, #tpu.memory_space<hbm>>)
      tpu.yield
    }) : () -> ()
    "tpu.region"() ({
      %run_scoped3A = tpu.sem_alloc : memref<!tpu.dma_semaphore, #tpu.memory_space<semaphore_mem>>
      %dma_start3A_132 = arith.constant 0 : i32
      %dma_start3A_133 = arith.constant 0 : i32
      %dma_start3A_134 = tpu.memref_slice %arg7[%add3A, %dma_start3A_132, %dma_start3A_133] : memref<32x80x128xf32, #tpu.memory_space<hbm>> -> memref<1x80x128xf32, #tpu.memory_space<hbm>>
      %dma_start3A_135 = tpu.memref_squeeze %dma_start3A_134 : memref<1x80x128xf32, #tpu.memory_space<hbm>> -> memref<80x128xf32, #tpu.memory_space<hbm>>
      %dma_start3A_136 = arith.constant 0 : i32
      %dma_start3A_137 = arith.constant 0 : i32
      %dma_start3A_138 = tpu.memref_slice %arg7[%add3A, %dma_start3A_136, %dma_start3A_137] : memref<32x80x128xf32, #tpu.memory_space<hbm>> -> memref<1x80x128xf32, #tpu.memory_space<hbm>>
      %dma_start3A_139 = tpu.memref_squeeze %dma_start3A_138 : memref<1x80x128xf32, #tpu.memory_space<hbm>> -> memref<80x128xf32, #tpu.memory_space<hbm>>
      tpu.enqueue_dma source(%arg13 : memref<80x128xf32, #tpu.memory_space<vmem>>) target(%dma_start3A_139 : memref<80x128xf32, #tpu.memory_space<hbm>>) target_semaphore(%run_scoped3A : memref<!tpu.dma_semaphore, #tpu.memory_space<semaphore_mem>>)
      %dma_wait3A_140 = arith.constant 0 : i32
      %dma_wait3A_141 = arith.constant 0 : i32
      %dma_wait3A_142 = tpu.memref_slice %arg7[%add3A, %dma_wait3A_140, %dma_wait3A_141] : memref<32x80x128xf32, #tpu.memory_space<hbm>> -> memref<1x80x128xf32, #tpu.memory_space<hbm>>
      %dma_wait3A_143 = tpu.memref_squeeze %dma_wait3A_142 : memref<1x80x128xf32, #tpu.memory_space<hbm>> -> memref<80x128xf32, #tpu.memory_space<hbm>>
      %dma_wait3A_144 = arith.constant 0 : i32
      %dma_wait3A_145 = arith.constant 0 : i32
      %dma_wait3A_146 = tpu.memref_slice %arg7[%add3A, %dma_wait3A_144, %dma_wait3A_145] : memref<32x80x128xf32, #tpu.memory_space<hbm>> -> memref<1x80x128xf32, #tpu.memory_space<hbm>>
      %dma_wait3A_147 = tpu.memref_squeeze %dma_wait3A_146 : memref<1x80x128xf32, #tpu.memory_space<hbm>> -> memref<80x128xf32, #tpu.memory_space<hbm>>
      tpu.wait_dma2 semaphore(%run_scoped3A : memref<!tpu.dma_semaphore, #tpu.memory_space<semaphore_mem>>) src(%arg13 : memref<80x128xf32, #tpu.memory_space<vmem>>) dst(%dma_wait3A_147 : memref<80x128xf32, #tpu.memory_space<hbm>>)
      tpu.yield
    }) : () -> ()
    return
  }
}

#map = affine_map<(d0, d1) -> (0, 0)>
#map1 = affine_map<(d0, d1) -> (0, 0, 0)>
module attributes {stable_mosaic.version = 14 : i64} {
  func.func @body(%arg0: i32, %arg1: i32, %arg2: memref<32x10112xi32, #tpu.memory_space<hbm>>, %arg3: memref<32x10112xi32, #tpu.memory_space<hbm>>, %arg4: memref<10000x128xf32, #tpu.memory_space<hbm>>, %arg5: memref<10112x128xf32, #tpu.memory_space<hbm>>, %arg6: memref<2x10112x128xf32, #tpu.memory_space<hbm>>, %arg7: memref<10112xi32, #tpu.memory_space<vmem>>, %arg8: memref<10112xi32, #tpu.memory_space<vmem>>, %arg9: memref<64x128xf32, #tpu.memory_space<vmem>>, %arg10: memref<64x128xf32, #tpu.memory_space<vmem>>, %arg11: memref<10112x128xf32, #tpu.memory_space<vmem_shared>>, %arg12: memref<!tpu.dma_semaphore, #tpu.memory_space<semaphore_mem>>, %arg13: memref<!tpu.dma_semaphore, #tpu.memory_space<semaphore_mem>>, %arg14: memref<!tpu.dma_semaphore, #tpu.memory_space<semaphore_mem>>, %arg15: memref<!tpu.dma_semaphore, #tpu.memory_space<semaphore_mem>>) attributes {dimension_semantics = [#tpu.dimension_semantics<core_parallel>, #tpu.dimension_semantics<subcore_parallel>], iteration_bounds = array<i64: 2, 16>, scalar_prefetch = 0 : i64, scratch_operands = 9 : i64, tpu.core_type = #tpu.core_type<sc_vector_subcore>, window_params = [{transform_indices = #map}, {transform_indices = #map}, {transform_indices = #map}, {transform_indices = #map}, {transform_indices = #map1}]} {
    %mul3A = arith.constant 16 : i32
    %mul3A_0 = arith.muli %arg0, %mul3A : i32
    %add3A = arith.addi %mul3A_0, %arg1 : i32
    %mul3A_1 = arith.constant 632 : i32
    %mul3A_2 = arith.muli %arg1, %mul3A_1 : i32
    "tpu.region"() ({
      %run_scoped3A = tpu.sem_alloc : memref<!tpu.dma_semaphore, #tpu.memory_space<semaphore_mem>>
      %dma_start3A_55 = arith.constant 0 : i32
      %dma_start3A_56 = tpu.memref_slice %arg11[%mul3A_2, %dma_start3A_55] : memref<10112x128xf32, #tpu.memory_space<vmem_shared>> -> memref<632x128xf32, #tpu.memory_space<vmem_shared>>
      %dma_start3A_57 = arith.constant 0 : i32
      %dma_start3A_58 = tpu.memref_slice %arg5[%mul3A_2, %dma_start3A_57] : memref<10112x128xf32, #tpu.memory_space<hbm>> -> memref<632x128xf32, #tpu.memory_space<hbm>>
      tpu.enqueue_dma source(%dma_start3A_58 : memref<632x128xf32, #tpu.memory_space<hbm>>) target(%dma_start3A_56 : memref<632x128xf32, #tpu.memory_space<vmem_shared>>) target_semaphore(%run_scoped3A : memref<!tpu.dma_semaphore, #tpu.memory_space<semaphore_mem>>)
      %dma_wait3A_59 = arith.constant 0 : i32
      %dma_wait3A_60 = tpu.memref_slice %arg11[%mul3A_2, %dma_wait3A_59] : memref<10112x128xf32, #tpu.memory_space<vmem_shared>> -> memref<632x128xf32, #tpu.memory_space<vmem_shared>>
      %dma_wait3A_61 = arith.constant 0 : i32
      %dma_wait3A_62 = tpu.memref_slice %arg5[%mul3A_2, %dma_wait3A_61] : memref<10112x128xf32, #tpu.memory_space<hbm>> -> memref<632x128xf32, #tpu.memory_space<hbm>>
      tpu.wait_dma2 semaphore(%run_scoped3A : memref<!tpu.dma_semaphore, #tpu.memory_space<semaphore_mem>>) src(%dma_wait3A_62 : memref<632x128xf32, #tpu.memory_space<hbm>>) dst(%dma_wait3A_60 : memref<632x128xf32, #tpu.memory_space<vmem_shared>>)
      tpu.yield
    }) : () -> ()
    "tpu.region"() ({
      %run_scoped3A = tpu.sem_alloc : memref<!tpu.dma_semaphore, #tpu.memory_space<semaphore_mem>>
      %dma_start3A_55 = arith.constant 0 : i32
      %dma_start3A_56 = tpu.memref_slice %arg2[%add3A, %dma_start3A_55] : memref<32x10112xi32, #tpu.memory_space<hbm>> -> memref<1x10112xi32, #tpu.memory_space<hbm>>
      %dma_start3A_57 = tpu.memref_squeeze %dma_start3A_56 : memref<1x10112xi32, #tpu.memory_space<hbm>> -> memref<10112xi32, #tpu.memory_space<hbm>>
      %dma_start3A_58 = arith.constant 0 : i32
      %dma_start3A_59 = tpu.memref_slice %arg2[%add3A, %dma_start3A_58] : memref<32x10112xi32, #tpu.memory_space<hbm>> -> memref<1x10112xi32, #tpu.memory_space<hbm>>
      %dma_start3A_60 = tpu.memref_squeeze %dma_start3A_59 : memref<1x10112xi32, #tpu.memory_space<hbm>> -> memref<10112xi32, #tpu.memory_space<hbm>>
      tpu.enqueue_dma source(%dma_start3A_60 : memref<10112xi32, #tpu.memory_space<hbm>>) target(%arg7 : memref<10112xi32, #tpu.memory_space<vmem>>) target_semaphore(%run_scoped3A : memref<!tpu.dma_semaphore, #tpu.memory_space<semaphore_mem>>)
      %dma_wait3A_61 = arith.constant 0 : i32
      %dma_wait3A_62 = tpu.memref_slice %arg2[%add3A, %dma_wait3A_61] : memref<32x10112xi32, #tpu.memory_space<hbm>> -> memref<1x10112xi32, #tpu.memory_space<hbm>>
      %dma_wait3A_63 = tpu.memref_squeeze %dma_wait3A_62 : memref<1x10112xi32, #tpu.memory_space<hbm>> -> memref<10112xi32, #tpu.memory_space<hbm>>
      %dma_wait3A_64 = arith.constant 0 : i32
      %dma_wait3A_65 = tpu.memref_slice %arg2[%add3A, %dma_wait3A_64] : memref<32x10112xi32, #tpu.memory_space<hbm>> -> memref<1x10112xi32, #tpu.memory_space<hbm>>
      %dma_wait3A_66 = tpu.memref_squeeze %dma_wait3A_65 : memref<1x10112xi32, #tpu.memory_space<hbm>> -> memref<10112xi32, #tpu.memory_space<hbm>>
      tpu.wait_dma2 semaphore(%run_scoped3A : memref<!tpu.dma_semaphore, #tpu.memory_space<semaphore_mem>>) src(%dma_wait3A_66 : memref<10112xi32, #tpu.memory_space<hbm>>) dst(%arg7 : memref<10112xi32, #tpu.memory_space<vmem>>)
      tpu.yield
    }) : () -> ()
    "tpu.region"() ({
      %run_scoped3A = tpu.sem_alloc : memref<!tpu.dma_semaphore, #tpu.memory_space<semaphore_mem>>
      %dma_start3A_55 = arith.constant 0 : i32
      %dma_start3A_56 = tpu.memref_slice %arg3[%add3A, %dma_start3A_55] : memref<32x10112xi32, #tpu.memory_space<hbm>> -> memref<1x10112xi32, #tpu.memory_space<hbm>>
      %dma_start3A_57 = tpu.memref_squeeze %dma_start3A_56 : memref<1x10112xi32, #tpu.memory_space<hbm>> -> memref<10112xi32, #tpu.memory_space<hbm>>
      %dma_start3A_58 = arith.constant 0 : i32
      %dma_start3A_59 = tpu.memref_slice %arg3[%add3A, %dma_start3A_58] : memref<32x10112xi32, #tpu.memory_space<hbm>> -> memref<1x10112xi32, #tpu.memory_space<hbm>>
      %dma_start3A_60 = tpu.memref_squeeze %dma_start3A_59 : memref<1x10112xi32, #tpu.memory_space<hbm>> -> memref<10112xi32, #tpu.memory_space<hbm>>
      tpu.enqueue_dma source(%dma_start3A_60 : memref<10112xi32, #tpu.memory_space<hbm>>) target(%arg8 : memref<10112xi32, #tpu.memory_space<vmem>>) target_semaphore(%run_scoped3A : memref<!tpu.dma_semaphore, #tpu.memory_space<semaphore_mem>>)
      %dma_wait3A_61 = arith.constant 0 : i32
      %dma_wait3A_62 = tpu.memref_slice %arg3[%add3A, %dma_wait3A_61] : memref<32x10112xi32, #tpu.memory_space<hbm>> -> memref<1x10112xi32, #tpu.memory_space<hbm>>
      %dma_wait3A_63 = tpu.memref_squeeze %dma_wait3A_62 : memref<1x10112xi32, #tpu.memory_space<hbm>> -> memref<10112xi32, #tpu.memory_space<hbm>>
      %dma_wait3A_64 = arith.constant 0 : i32
      %dma_wait3A_65 = tpu.memref_slice %arg3[%add3A, %dma_wait3A_64] : memref<32x10112xi32, #tpu.memory_space<hbm>> -> memref<1x10112xi32, #tpu.memory_space<hbm>>
      %dma_wait3A_66 = tpu.memref_squeeze %dma_wait3A_65 : memref<1x10112xi32, #tpu.memory_space<hbm>> -> memref<10112xi32, #tpu.memory_space<hbm>>
      tpu.wait_dma2 semaphore(%run_scoped3A : memref<!tpu.dma_semaphore, #tpu.memory_space<semaphore_mem>>) src(%dma_wait3A_66 : memref<10112xi32, #tpu.memory_space<hbm>>) dst(%arg8 : memref<10112xi32, #tpu.memory_space<vmem>>)
      tpu.yield
    }) : () -> ()
    %barrier3A = arith.constant 0 : index
    tpu.barrier barrier_id(%barrier3A)
    %broadcast_in_dim3A = arith.constant 1.000000e+00 : f32
    %broadcast_in_dim3A_3 = vector.broadcast %broadcast_in_dim3A : f32 to vector<16xf32>
    %multiple_of3A = arith.constant 0 : i32
    %multiple_of3A_4 = tpu.assume_multiple %multiple_of3A, 64 : i32
    %dma_start3A = tpu.memref_slice %arg7[%multiple_of3A_4] : memref<10112xi32, #tpu.memory_space<vmem>> -> memref<64xi32, #tpu.memory_space<vmem>>
    %dma_start3A_5 = arith.constant 0 : i32
    %dma_start3A_6 = arith.constant 0 : i32
    %dma_start3A_7 = tpu.memref_slice %arg4[%dma_start3A_5, %dma_start3A_6] : memref<10000x128xf32, #tpu.memory_space<hbm>> -> memref<10000x128xf32, #tpu.memory_space<hbm>>
    tpu.enqueue_indirect_dma source(%dma_start3A_7 : memref<10000x128xf32, #tpu.memory_space<hbm>>) target(%arg9 : memref<64x128xf32, #tpu.memory_space<vmem>>) offsets(%dma_start3A : memref<64xi32, #tpu.memory_space<vmem>>) semaphore(%arg12 : memref<!tpu.dma_semaphore, #tpu.memory_space<semaphore_mem>>)
    %dma_wait3A = arith.constant 0 : i32
    %dma_wait3A_8 = arith.constant 0 : i32
    %dma_wait3A_9 = tpu.memref_slice %arg4[%dma_wait3A, %dma_wait3A_8] : memref<10000x128xf32, #tpu.memory_space<hbm>> -> memref<64x128xf32, #tpu.memory_space<hbm>>
    %dma_wait3A_10 = arith.constant 0 : i32
    %dma_wait3A_11 = arith.constant 0 : i32
    %dma_wait3A_12 = tpu.memref_slice %arg4[%dma_wait3A_10, %dma_wait3A_11] : memref<10000x128xf32, #tpu.memory_space<hbm>> -> memref<64x128xf32, #tpu.memory_space<hbm>>
    tpu.wait_dma2 semaphore(%arg12 : memref<!tpu.dma_semaphore, #tpu.memory_space<semaphore_mem>>) src(%dma_wait3A_12 : memref<64x128xf32, #tpu.memory_space<hbm>>) dst(%arg9 : memref<64x128xf32, #tpu.memory_space<vmem>>)
    %multiple_of3A_13 = arith.constant 0 : i32
    %multiple_of3A_14 = tpu.assume_multiple %multiple_of3A_13, 64 : i32
    %dma_start3A_15 = tpu.memref_slice %arg8[%multiple_of3A_14] : memref<10112xi32, #tpu.memory_space<vmem>> -> memref<64xi32, #tpu.memory_space<vmem>>
    %dma_start3A_16 = arith.constant 0 : i32
    %dma_start3A_17 = arith.constant 0 : i32
    %dma_start3A_18 = tpu.memref_slice %arg11[%dma_start3A_16, %dma_start3A_17] : memref<10112x128xf32, #tpu.memory_space<vmem_shared>> -> memref<10112x128xf32, #tpu.memory_space<vmem_shared>>
    tpu.enqueue_indirect_dma source(%arg9 : memref<64x128xf32, #tpu.memory_space<vmem>>) target(%dma_start3A_18 : memref<10112x128xf32, #tpu.memory_space<vmem_shared>>) offsets(%dma_start3A_15 : memref<64xi32, #tpu.memory_space<vmem>>) semaphore(%arg14 : memref<!tpu.dma_semaphore, #tpu.memory_space<semaphore_mem>>) {add = true}
    %multiple_of3A_19 = arith.constant 64 : i32
    %multiple_of3A_20 = tpu.assume_multiple %multiple_of3A_19, 64 : i32
    %dma_start3A_21 = tpu.memref_slice %arg7[%multiple_of3A_20] : memref<10112xi32, #tpu.memory_space<vmem>> -> memref<64xi32, #tpu.memory_space<vmem>>
    %dma_start3A_22 = arith.constant 0 : i32
    %dma_start3A_23 = arith.constant 0 : i32
    %dma_start3A_24 = tpu.memref_slice %arg4[%dma_start3A_22, %dma_start3A_23] : memref<10000x128xf32, #tpu.memory_space<hbm>> -> memref<10000x128xf32, #tpu.memory_space<hbm>>
    tpu.enqueue_indirect_dma source(%dma_start3A_24 : memref<10000x128xf32, #tpu.memory_space<hbm>>) target(%arg10 : memref<64x128xf32, #tpu.memory_space<vmem>>) offsets(%dma_start3A_21 : memref<64xi32, #tpu.memory_space<vmem>>) semaphore(%arg13 : memref<!tpu.dma_semaphore, #tpu.memory_space<semaphore_mem>>)
    %scan3A = arith.constant 0 : i32
    %scan3A_25 = arith.constant 0 : i32
    %scan3A_26 = arith.constant 78 : i32
    %scan3A_27 = arith.addi %scan3A_25, %scan3A_26 : i32
    %scan3A_28 = arith.constant 1 : i32
    scf.for %scan3A_55 = %scan3A_25 to %scan3A_27 step %scan3A_28  : i32 {
      %mul3A_56 = arith.constant 2 : i32
      %mul3A_57 = arith.muli %mul3A_56, %scan3A_55 : i32
      %dma_wait3A_58 = arith.constant 0 : i32
      %dma_wait3A_59 = arith.constant 0 : i32
      %dma_wait3A_60 = tpu.memref_slice %arg4[%dma_wait3A_58, %dma_wait3A_59] : memref<10000x128xf32, #tpu.memory_space<hbm>> -> memref<64x128xf32, #tpu.memory_space<hbm>>
      %dma_wait3A_61 = arith.constant 0 : i32
      %dma_wait3A_62 = arith.constant 0 : i32
      %dma_wait3A_63 = tpu.memref_slice %arg4[%dma_wait3A_61, %dma_wait3A_62] : memref<10000x128xf32, #tpu.memory_space<hbm>> -> memref<64x128xf32, #tpu.memory_space<hbm>>
      tpu.wait_dma2 semaphore(%arg13 : memref<!tpu.dma_semaphore, #tpu.memory_space<semaphore_mem>>) src(%dma_wait3A_63 : memref<64x128xf32, #tpu.memory_space<hbm>>) dst(%arg10 : memref<64x128xf32, #tpu.memory_space<vmem>>)
      %add3A_64 = arith.constant 1 : i32
      %add3A_65 = arith.addi %mul3A_57, %add3A_64 : i32
      %mul3A_66 = arith.constant 64 : i32
      %mul3A_67 = arith.muli %add3A_65, %mul3A_66 : i32
      %multiple_of3A_68 = tpu.assume_multiple %mul3A_67, 64 : i32
      %dma_start3A_69 = tpu.memref_slice %arg8[%multiple_of3A_68] : memref<10112xi32, #tpu.memory_space<vmem>> -> memref<64xi32, #tpu.memory_space<vmem>>
      %dma_start3A_70 = arith.constant 0 : i32
      %dma_start3A_71 = arith.constant 0 : i32
      %dma_start3A_72 = tpu.memref_slice %arg11[%dma_start3A_70, %dma_start3A_71] : memref<10112x128xf32, #tpu.memory_space<vmem_shared>> -> memref<10112x128xf32, #tpu.memory_space<vmem_shared>>
      tpu.enqueue_indirect_dma source(%arg10 : memref<64x128xf32, #tpu.memory_space<vmem>>) target(%dma_start3A_72 : memref<10112x128xf32, #tpu.memory_space<vmem_shared>>) offsets(%dma_start3A_69 : memref<64xi32, #tpu.memory_space<vmem>>) semaphore(%arg15 : memref<!tpu.dma_semaphore, #tpu.memory_space<semaphore_mem>>) {add = true}
      %dma_wait3A_73 = arith.constant 0 : i32
      %dma_wait3A_74 = arith.constant 0 : i32
      %dma_wait3A_75 = tpu.memref_slice %arg11[%dma_wait3A_73, %dma_wait3A_74] : memref<10112x128xf32, #tpu.memory_space<vmem_shared>> -> memref<64x128xf32, #tpu.memory_space<vmem_shared>>
      %dma_wait3A_76 = arith.constant 0 : i32
      %dma_wait3A_77 = arith.constant 0 : i32
      %dma_wait3A_78 = tpu.memref_slice %arg11[%dma_wait3A_76, %dma_wait3A_77] : memref<10112x128xf32, #tpu.memory_space<vmem_shared>> -> memref<64x128xf32, #tpu.memory_space<vmem_shared>>
      tpu.wait_dma2 semaphore(%arg14 : memref<!tpu.dma_semaphore, #tpu.memory_space<semaphore_mem>>) src(%arg9 : memref<64x128xf32, #tpu.memory_space<vmem>>) dst(%dma_wait3A_78 : memref<64x128xf32, #tpu.memory_space<vmem_shared>>)
      %add3A_79 = arith.constant 2 : i32
      %add3A_80 = arith.addi %mul3A_57, %add3A_79 : i32
      %mul3A_81 = arith.constant 64 : i32
      %mul3A_82 = arith.muli %add3A_80, %mul3A_81 : i32
      %multiple_of3A_83 = tpu.assume_multiple %mul3A_82, 64 : i32
      %dma_start3A_84 = tpu.memref_slice %arg7[%multiple_of3A_83] : memref<10112xi32, #tpu.memory_space<vmem>> -> memref<64xi32, #tpu.memory_space<vmem>>
      %dma_start3A_85 = arith.constant 0 : i32
      %dma_start3A_86 = arith.constant 0 : i32
      %dma_start3A_87 = tpu.memref_slice %arg4[%dma_start3A_85, %dma_start3A_86] : memref<10000x128xf32, #tpu.memory_space<hbm>> -> memref<10000x128xf32, #tpu.memory_space<hbm>>
      tpu.enqueue_indirect_dma source(%dma_start3A_87 : memref<10000x128xf32, #tpu.memory_space<hbm>>) target(%arg9 : memref<64x128xf32, #tpu.memory_space<vmem>>) offsets(%dma_start3A_84 : memref<64xi32, #tpu.memory_space<vmem>>) semaphore(%arg12 : memref<!tpu.dma_semaphore, #tpu.memory_space<semaphore_mem>>)
      %add3A_88 = arith.constant 1 : i32
      %add3A_89 = arith.addi %mul3A_57, %add3A_88 : i32
      %dma_wait3A_90 = arith.constant 0 : i32
      %dma_wait3A_91 = arith.constant 0 : i32
      %dma_wait3A_92 = tpu.memref_slice %arg4[%dma_wait3A_90, %dma_wait3A_91] : memref<10000x128xf32, #tpu.memory_space<hbm>> -> memref<64x128xf32, #tpu.memory_space<hbm>>
      %dma_wait3A_93 = arith.constant 0 : i32
      %dma_wait3A_94 = arith.constant 0 : i32
      %dma_wait3A_95 = tpu.memref_slice %arg4[%dma_wait3A_93, %dma_wait3A_94] : memref<10000x128xf32, #tpu.memory_space<hbm>> -> memref<64x128xf32, #tpu.memory_space<hbm>>
      tpu.wait_dma2 semaphore(%arg12 : memref<!tpu.dma_semaphore, #tpu.memory_space<semaphore_mem>>) src(%dma_wait3A_95 : memref<64x128xf32, #tpu.memory_space<hbm>>) dst(%arg9 : memref<64x128xf32, #tpu.memory_space<vmem>>)
      %add3A_96 = arith.constant 2 : i32
      %add3A_97 = arith.addi %mul3A_57, %add3A_96 : i32
      %mul3A_98 = arith.constant 64 : i32
      %mul3A_99 = arith.muli %add3A_97, %mul3A_98 : i32
      %multiple_of3A_100 = tpu.assume_multiple %mul3A_99, 64 : i32
      %dma_start3A_101 = tpu.memref_slice %arg8[%multiple_of3A_100] : memref<10112xi32, #tpu.memory_space<vmem>> -> memref<64xi32, #tpu.memory_space<vmem>>
      %dma_start3A_102 = arith.constant 0 : i32
      %dma_start3A_103 = arith.constant 0 : i32
      %dma_start3A_104 = tpu.memref_slice %arg11[%dma_start3A_102, %dma_start3A_103] : memref<10112x128xf32, #tpu.memory_space<vmem_shared>> -> memref<10112x128xf32, #tpu.memory_space<vmem_shared>>
      tpu.enqueue_indirect_dma source(%arg9 : memref<64x128xf32, #tpu.memory_space<vmem>>) target(%dma_start3A_104 : memref<10112x128xf32, #tpu.memory_space<vmem_shared>>) offsets(%dma_start3A_101 : memref<64xi32, #tpu.memory_space<vmem>>) semaphore(%arg14 : memref<!tpu.dma_semaphore, #tpu.memory_space<semaphore_mem>>) {add = true}
      %dma_wait3A_105 = arith.constant 0 : i32
      %dma_wait3A_106 = arith.constant 0 : i32
      %dma_wait3A_107 = tpu.memref_slice %arg11[%dma_wait3A_105, %dma_wait3A_106] : memref<10112x128xf32, #tpu.memory_space<vmem_shared>> -> memref<64x128xf32, #tpu.memory_space<vmem_shared>>
      %dma_wait3A_108 = arith.constant 0 : i32
      %dma_wait3A_109 = arith.constant 0 : i32
      %dma_wait3A_110 = tpu.memref_slice %arg11[%dma_wait3A_108, %dma_wait3A_109] : memref<10112x128xf32, #tpu.memory_space<vmem_shared>> -> memref<64x128xf32, #tpu.memory_space<vmem_shared>>
      tpu.wait_dma2 semaphore(%arg15 : memref<!tpu.dma_semaphore, #tpu.memory_space<semaphore_mem>>) src(%arg10 : memref<64x128xf32, #tpu.memory_space<vmem>>) dst(%dma_wait3A_110 : memref<64x128xf32, #tpu.memory_space<vmem_shared>>)
      %add3A_111 = arith.constant 3 : i32
      %add3A_112 = arith.addi %mul3A_57, %add3A_111 : i32
      %mul3A_113 = arith.constant 64 : i32
      %mul3A_114 = arith.muli %add3A_112, %mul3A_113 : i32
      %multiple_of3A_115 = tpu.assume_multiple %mul3A_114, 64 : i32
      %dma_start3A_116 = tpu.memref_slice %arg7[%multiple_of3A_115] : memref<10112xi32, #tpu.memory_space<vmem>> -> memref<64xi32, #tpu.memory_space<vmem>>
      %dma_start3A_117 = arith.constant 0 : i32
      %dma_start3A_118 = arith.constant 0 : i32
      %dma_start3A_119 = tpu.memref_slice %arg4[%dma_start3A_117, %dma_start3A_118] : memref<10000x128xf32, #tpu.memory_space<hbm>> -> memref<10000x128xf32, #tpu.memory_space<hbm>>
      tpu.enqueue_indirect_dma source(%dma_start3A_119 : memref<10000x128xf32, #tpu.memory_space<hbm>>) target(%arg10 : memref<64x128xf32, #tpu.memory_space<vmem>>) offsets(%dma_start3A_116 : memref<64xi32, #tpu.memory_space<vmem>>) semaphore(%arg13 : memref<!tpu.dma_semaphore, #tpu.memory_space<semaphore_mem>>)
      %add3A_120 = arith.constant 2 : i32
      %add3A_121 = arith.addi %mul3A_57, %add3A_120 : i32
    }
    %scan3A_29 = arith.constant 78 : i32
    %dma_wait3A_30 = arith.constant 0 : i32
    %dma_wait3A_31 = arith.constant 0 : i32
    %dma_wait3A_32 = tpu.memref_slice %arg4[%dma_wait3A_30, %dma_wait3A_31] : memref<10000x128xf32, #tpu.memory_space<hbm>> -> memref<64x128xf32, #tpu.memory_space<hbm>>
    %dma_wait3A_33 = arith.constant 0 : i32
    %dma_wait3A_34 = arith.constant 0 : i32
    %dma_wait3A_35 = tpu.memref_slice %arg4[%dma_wait3A_33, %dma_wait3A_34] : memref<10000x128xf32, #tpu.memory_space<hbm>> -> memref<64x128xf32, #tpu.memory_space<hbm>>
    tpu.wait_dma2 semaphore(%arg13 : memref<!tpu.dma_semaphore, #tpu.memory_space<semaphore_mem>>) src(%dma_wait3A_35 : memref<64x128xf32, #tpu.memory_space<hbm>>) dst(%arg10 : memref<64x128xf32, #tpu.memory_space<vmem>>)
    %multiple_of3A_36 = arith.constant 10048 : i32
    %multiple_of3A_37 = tpu.assume_multiple %multiple_of3A_36, 64 : i32
    %dma_start3A_38 = tpu.memref_slice %arg8[%multiple_of3A_37] : memref<10112xi32, #tpu.memory_space<vmem>> -> memref<64xi32, #tpu.memory_space<vmem>>
    %dma_start3A_39 = arith.constant 0 : i32
    %dma_start3A_40 = arith.constant 0 : i32
    %dma_start3A_41 = tpu.memref_slice %arg11[%dma_start3A_39, %dma_start3A_40] : memref<10112x128xf32, #tpu.memory_space<vmem_shared>> -> memref<10112x128xf32, #tpu.memory_space<vmem_shared>>
    tpu.enqueue_indirect_dma source(%arg10 : memref<64x128xf32, #tpu.memory_space<vmem>>) target(%dma_start3A_41 : memref<10112x128xf32, #tpu.memory_space<vmem_shared>>) offsets(%dma_start3A_38 : memref<64xi32, #tpu.memory_space<vmem>>) semaphore(%arg15 : memref<!tpu.dma_semaphore, #tpu.memory_space<semaphore_mem>>) {add = true}
    %dma_wait3A_42 = arith.constant 0 : i32
    %dma_wait3A_43 = arith.constant 0 : i32
    %dma_wait3A_44 = tpu.memref_slice %arg11[%dma_wait3A_42, %dma_wait3A_43] : memref<10112x128xf32, #tpu.memory_space<vmem_shared>> -> memref<64x128xf32, #tpu.memory_space<vmem_shared>>
    %dma_wait3A_45 = arith.constant 0 : i32
    %dma_wait3A_46 = arith.constant 0 : i32
    %dma_wait3A_47 = tpu.memref_slice %arg11[%dma_wait3A_45, %dma_wait3A_46] : memref<10112x128xf32, #tpu.memory_space<vmem_shared>> -> memref<64x128xf32, #tpu.memory_space<vmem_shared>>
    tpu.wait_dma2 semaphore(%arg14 : memref<!tpu.dma_semaphore, #tpu.memory_space<semaphore_mem>>) src(%arg9 : memref<64x128xf32, #tpu.memory_space<vmem>>) dst(%dma_wait3A_47 : memref<64x128xf32, #tpu.memory_space<vmem_shared>>)
    %dma_wait3A_48 = arith.constant 0 : i32
    %dma_wait3A_49 = arith.constant 0 : i32
    %dma_wait3A_50 = tpu.memref_slice %arg11[%dma_wait3A_48, %dma_wait3A_49] : memref<10112x128xf32, #tpu.memory_space<vmem_shared>> -> memref<64x128xf32, #tpu.memory_space<vmem_shared>>
    %dma_wait3A_51 = arith.constant 0 : i32
    %dma_wait3A_52 = arith.constant 0 : i32
    %dma_wait3A_53 = tpu.memref_slice %arg11[%dma_wait3A_51, %dma_wait3A_52] : memref<10112x128xf32, #tpu.memory_space<vmem_shared>> -> memref<64x128xf32, #tpu.memory_space<vmem_shared>>
    tpu.wait_dma2 semaphore(%arg15 : memref<!tpu.dma_semaphore, #tpu.memory_space<semaphore_mem>>) src(%arg10 : memref<64x128xf32, #tpu.memory_space<vmem>>) dst(%dma_wait3A_53 : memref<64x128xf32, #tpu.memory_space<vmem_shared>>)
    %barrier3A_54 = arith.constant 0 : index
    tpu.barrier barrier_id(%barrier3A_54)
    "tpu.region"() ({
      %run_scoped3A = tpu.sem_alloc : memref<!tpu.dma_semaphore, #tpu.memory_space<semaphore_mem>>
      %dma_start3A_55 = arith.constant 0 : i32
      %dma_start3A_56 = tpu.memref_slice %arg6[%arg0, %mul3A_2, %dma_start3A_55] : memref<2x10112x128xf32, #tpu.memory_space<hbm>> -> memref<1x632x128xf32, #tpu.memory_space<hbm>>
      %dma_start3A_57 = tpu.memref_squeeze %dma_start3A_56 : memref<1x632x128xf32, #tpu.memory_space<hbm>> -> memref<632x128xf32, #tpu.memory_space<hbm>>
      %dma_start3A_58 = arith.constant 0 : i32
      %dma_start3A_59 = tpu.memref_slice %arg11[%mul3A_2, %dma_start3A_58] : memref<10112x128xf32, #tpu.memory_space<vmem_shared>> -> memref<632x128xf32, #tpu.memory_space<vmem_shared>>
      tpu.enqueue_dma source(%dma_start3A_59 : memref<632x128xf32, #tpu.memory_space<vmem_shared>>) target(%dma_start3A_57 : memref<632x128xf32, #tpu.memory_space<hbm>>) target_semaphore(%run_scoped3A : memref<!tpu.dma_semaphore, #tpu.memory_space<semaphore_mem>>)
      %dma_wait3A_60 = arith.constant 0 : i32
      %dma_wait3A_61 = tpu.memref_slice %arg6[%arg0, %mul3A_2, %dma_wait3A_60] : memref<2x10112x128xf32, #tpu.memory_space<hbm>> -> memref<1x632x128xf32, #tpu.memory_space<hbm>>
      %dma_wait3A_62 = tpu.memref_squeeze %dma_wait3A_61 : memref<1x632x128xf32, #tpu.memory_space<hbm>> -> memref<632x128xf32, #tpu.memory_space<hbm>>
      %dma_wait3A_63 = arith.constant 0 : i32
      %dma_wait3A_64 = tpu.memref_slice %arg11[%mul3A_2, %dma_wait3A_63] : memref<10112x128xf32, #tpu.memory_space<vmem_shared>> -> memref<632x128xf32, #tpu.memory_space<vmem_shared>>
      tpu.wait_dma2 semaphore(%run_scoped3A : memref<!tpu.dma_semaphore, #tpu.memory_space<semaphore_mem>>) src(%dma_wait3A_64 : memref<632x128xf32, #tpu.memory_space<vmem_shared>>) dst(%dma_wait3A_62 : memref<632x128xf32, #tpu.memory_space<hbm>>)
      tpu.yield
    }) : () -> ()
    return
  }
}

#map = affine_map<(d0, d1) -> (0, 0)>
#map1 = affine_map<(d0, d1) -> (0, 0, 0)>
module attributes {stable_mosaic.version = 14 : i64} {
  func.func @body(%arg0: i32, %arg1: i32, %arg2: memref<32x10112xi32, #tpu.memory_space<hbm>>, %arg3: memref<32x10112xi32, #tpu.memory_space<hbm>>, %arg4: memref<10000x128xf32, #tpu.memory_space<hbm>>, %arg5: memref<10112x128xf32, #tpu.memory_space<hbm>>, %arg6: memref<2x10112x128xf32, #tpu.memory_space<hbm>>, %arg7: memref<10112xi32, #tpu.memory_space<vmem>>, %arg8: memref<10112xi32, #tpu.memory_space<vmem>>, %arg9: memref<64x128xf32, #tpu.memory_space<vmem>>, %arg10: memref<64x128xf32, #tpu.memory_space<vmem>>, %arg11: memref<10112x128xf32, #tpu.memory_space<vmem_shared>>, %arg12: memref<!tpu.dma_semaphore, #tpu.memory_space<semaphore_mem>>, %arg13: memref<!tpu.dma_semaphore, #tpu.memory_space<semaphore_mem>>, %arg14: memref<!tpu.dma_semaphore, #tpu.memory_space<semaphore_mem>>, %arg15: memref<!tpu.dma_semaphore, #tpu.memory_space<semaphore_mem>>) attributes {dimension_semantics = [#tpu.dimension_semantics<core_parallel>, #tpu.dimension_semantics<subcore_parallel>], iteration_bounds = array<i64: 2, 16>, scalar_prefetch = 0 : i64, scratch_operands = 9 : i64, tpu.core_type = #tpu.core_type<sc_vector_subcore>, window_params = [{transform_indices = #map}, {transform_indices = #map}, {transform_indices = #map}, {transform_indices = #map}, {transform_indices = #map1}]} {
    %mul3A = arith.constant 16 : i32
    %mul3A_0 = arith.muli %arg0, %mul3A : i32
    %add3A = arith.addi %mul3A_0, %arg1 : i32
    %mul3A_1 = arith.constant 632 : i32
    %mul3A_2 = arith.muli %arg1, %mul3A_1 : i32
    "tpu.region"() ({
      %run_scoped3A = tpu.sem_alloc : memref<!tpu.dma_semaphore, #tpu.memory_space<semaphore_mem>>
      %dma_start3A_55 = arith.constant 0 : i32
      %dma_start3A_56 = tpu.memref_slice %arg11[%mul3A_2, %dma_start3A_55] : memref<10112x128xf32, #tpu.memory_space<vmem_shared>> -> memref<632x128xf32, #tpu.memory_space<vmem_shared>>
      %dma_start3A_57 = arith.constant 0 : i32
      %dma_start3A_58 = tpu.memref_slice %arg5[%mul3A_2, %dma_start3A_57] : memref<10112x128xf32, #tpu.memory_space<hbm>> -> memref<632x128xf32, #tpu.memory_space<hbm>>
      tpu.enqueue_dma source(%dma_start3A_58 : memref<632x128xf32, #tpu.memory_space<hbm>>) target(%dma_start3A_56 : memref<632x128xf32, #tpu.memory_space<vmem_shared>>) target_semaphore(%run_scoped3A : memref<!tpu.dma_semaphore, #tpu.memory_space<semaphore_mem>>)
      %dma_wait3A_59 = arith.constant 0 : i32
      %dma_wait3A_60 = tpu.memref_slice %arg11[%mul3A_2, %dma_wait3A_59] : memref<10112x128xf32, #tpu.memory_space<vmem_shared>> -> memref<632x128xf32, #tpu.memory_space<vmem_shared>>
      %dma_wait3A_61 = arith.constant 0 : i32
      %dma_wait3A_62 = tpu.memref_slice %arg5[%mul3A_2, %dma_wait3A_61] : memref<10112x128xf32, #tpu.memory_space<hbm>> -> memref<632x128xf32, #tpu.memory_space<hbm>>
      tpu.wait_dma2 semaphore(%run_scoped3A : memref<!tpu.dma_semaphore, #tpu.memory_space<semaphore_mem>>) src(%dma_wait3A_62 : memref<632x128xf32, #tpu.memory_space<hbm>>) dst(%dma_wait3A_60 : memref<632x128xf32, #tpu.memory_space<vmem_shared>>)
      tpu.yield
    }) : () -> ()
    "tpu.region"() ({
      %run_scoped3A = tpu.sem_alloc : memref<!tpu.dma_semaphore, #tpu.memory_space<semaphore_mem>>
      %dma_start3A_55 = arith.constant 0 : i32
      %dma_start3A_56 = tpu.memref_slice %arg2[%add3A, %dma_start3A_55] : memref<32x10112xi32, #tpu.memory_space<hbm>> -> memref<1x10112xi32, #tpu.memory_space<hbm>>
      %dma_start3A_57 = tpu.memref_squeeze %dma_start3A_56 : memref<1x10112xi32, #tpu.memory_space<hbm>> -> memref<10112xi32, #tpu.memory_space<hbm>>
      %dma_start3A_58 = arith.constant 0 : i32
      %dma_start3A_59 = tpu.memref_slice %arg2[%add3A, %dma_start3A_58] : memref<32x10112xi32, #tpu.memory_space<hbm>> -> memref<1x10112xi32, #tpu.memory_space<hbm>>
      %dma_start3A_60 = tpu.memref_squeeze %dma_start3A_59 : memref<1x10112xi32, #tpu.memory_space<hbm>> -> memref<10112xi32, #tpu.memory_space<hbm>>
      tpu.enqueue_dma source(%dma_start3A_60 : memref<10112xi32, #tpu.memory_space<hbm>>) target(%arg7 : memref<10112xi32, #tpu.memory_space<vmem>>) target_semaphore(%run_scoped3A : memref<!tpu.dma_semaphore, #tpu.memory_space<semaphore_mem>>)
      %dma_wait3A_61 = arith.constant 0 : i32
      %dma_wait3A_62 = tpu.memref_slice %arg2[%add3A, %dma_wait3A_61] : memref<32x10112xi32, #tpu.memory_space<hbm>> -> memref<1x10112xi32, #tpu.memory_space<hbm>>
      %dma_wait3A_63 = tpu.memref_squeeze %dma_wait3A_62 : memref<1x10112xi32, #tpu.memory_space<hbm>> -> memref<10112xi32, #tpu.memory_space<hbm>>
      %dma_wait3A_64 = arith.constant 0 : i32
      %dma_wait3A_65 = tpu.memref_slice %arg2[%add3A, %dma_wait3A_64] : memref<32x10112xi32, #tpu.memory_space<hbm>> -> memref<1x10112xi32, #tpu.memory_space<hbm>>
      %dma_wait3A_66 = tpu.memref_squeeze %dma_wait3A_65 : memref<1x10112xi32, #tpu.memory_space<hbm>> -> memref<10112xi32, #tpu.memory_space<hbm>>
      tpu.wait_dma2 semaphore(%run_scoped3A : memref<!tpu.dma_semaphore, #tpu.memory_space<semaphore_mem>>) src(%dma_wait3A_66 : memref<10112xi32, #tpu.memory_space<hbm>>) dst(%arg7 : memref<10112xi32, #tpu.memory_space<vmem>>)
      tpu.yield
    }) : () -> ()
    "tpu.region"() ({
      %run_scoped3A = tpu.sem_alloc : memref<!tpu.dma_semaphore, #tpu.memory_space<semaphore_mem>>
      %dma_start3A_55 = arith.constant 0 : i32
      %dma_start3A_56 = tpu.memref_slice %arg3[%add3A, %dma_start3A_55] : memref<32x10112xi32, #tpu.memory_space<hbm>> -> memref<1x10112xi32, #tpu.memory_space<hbm>>
      %dma_start3A_57 = tpu.memref_squeeze %dma_start3A_56 : memref<1x10112xi32, #tpu.memory_space<hbm>> -> memref<10112xi32, #tpu.memory_space<hbm>>
      %dma_start3A_58 = arith.constant 0 : i32
      %dma_start3A_59 = tpu.memref_slice %arg3[%add3A, %dma_start3A_58] : memref<32x10112xi32, #tpu.memory_space<hbm>> -> memref<1x10112xi32, #tpu.memory_space<hbm>>
      %dma_start3A_60 = tpu.memref_squeeze %dma_start3A_59 : memref<1x10112xi32, #tpu.memory_space<hbm>> -> memref<10112xi32, #tpu.memory_space<hbm>>
      tpu.enqueue_dma source(%dma_start3A_60 : memref<10112xi32, #tpu.memory_space<hbm>>) target(%arg8 : memref<10112xi32, #tpu.memory_space<vmem>>) target_semaphore(%run_scoped3A : memref<!tpu.dma_semaphore, #tpu.memory_space<semaphore_mem>>)
      %dma_wait3A_61 = arith.constant 0 : i32
      %dma_wait3A_62 = tpu.memref_slice %arg3[%add3A, %dma_wait3A_61] : memref<32x10112xi32, #tpu.memory_space<hbm>> -> memref<1x10112xi32, #tpu.memory_space<hbm>>
      %dma_wait3A_63 = tpu.memref_squeeze %dma_wait3A_62 : memref<1x10112xi32, #tpu.memory_space<hbm>> -> memref<10112xi32, #tpu.memory_space<hbm>>
      %dma_wait3A_64 = arith.constant 0 : i32
      %dma_wait3A_65 = tpu.memref_slice %arg3[%add3A, %dma_wait3A_64] : memref<32x10112xi32, #tpu.memory_space<hbm>> -> memref<1x10112xi32, #tpu.memory_space<hbm>>
      %dma_wait3A_66 = tpu.memref_squeeze %dma_wait3A_65 : memref<1x10112xi32, #tpu.memory_space<hbm>> -> memref<10112xi32, #tpu.memory_space<hbm>>
      tpu.wait_dma2 semaphore(%run_scoped3A : memref<!tpu.dma_semaphore, #tpu.memory_space<semaphore_mem>>) src(%dma_wait3A_66 : memref<10112xi32, #tpu.memory_space<hbm>>) dst(%arg8 : memref<10112xi32, #tpu.memory_space<vmem>>)
      tpu.yield
    }) : () -> ()
    %barrier3A = arith.constant 0 : index
    tpu.barrier barrier_id(%barrier3A)
    %broadcast_in_dim3A = arith.constant 1.000000e+00 : f32
    %broadcast_in_dim3A_3 = vector.broadcast %broadcast_in_dim3A : f32 to vector<16xf32>
    %multiple_of3A = arith.constant 0 : i32
    %multiple_of3A_4 = tpu.assume_multiple %multiple_of3A, 64 : i32
    %dma_start3A = tpu.memref_slice %arg7[%multiple_of3A_4] : memref<10112xi32, #tpu.memory_space<vmem>> -> memref<64xi32, #tpu.memory_space<vmem>>
    %dma_start3A_5 = arith.constant 0 : i32
    %dma_start3A_6 = arith.constant 0 : i32
    %dma_start3A_7 = tpu.memref_slice %arg4[%dma_start3A_5, %dma_start3A_6] : memref<10000x128xf32, #tpu.memory_space<hbm>> -> memref<10000x128xf32, #tpu.memory_space<hbm>>
    tpu.enqueue_indirect_dma source(%dma_start3A_7 : memref<10000x128xf32, #tpu.memory_space<hbm>>) target(%arg9 : memref<64x128xf32, #tpu.memory_space<vmem>>) offsets(%dma_start3A : memref<64xi32, #tpu.memory_space<vmem>>) semaphore(%arg12 : memref<!tpu.dma_semaphore, #tpu.memory_space<semaphore_mem>>)
    %dma_wait3A = arith.constant 0 : i32
    %dma_wait3A_8 = arith.constant 0 : i32
    %dma_wait3A_9 = tpu.memref_slice %arg4[%dma_wait3A, %dma_wait3A_8] : memref<10000x128xf32, #tpu.memory_space<hbm>> -> memref<64x128xf32, #tpu.memory_space<hbm>>
    %dma_wait3A_10 = arith.constant 0 : i32
    %dma_wait3A_11 = arith.constant 0 : i32
    %dma_wait3A_12 = tpu.memref_slice %arg4[%dma_wait3A_10, %dma_wait3A_11] : memref<10000x128xf32, #tpu.memory_space<hbm>> -> memref<64x128xf32, #tpu.memory_space<hbm>>
    tpu.wait_dma2 semaphore(%arg12 : memref<!tpu.dma_semaphore, #tpu.memory_space<semaphore_mem>>) src(%dma_wait3A_12 : memref<64x128xf32, #tpu.memory_space<hbm>>) dst(%arg9 : memref<64x128xf32, #tpu.memory_space<vmem>>)
    %multiple_of3A_13 = arith.constant 0 : i32
    %multiple_of3A_14 = tpu.assume_multiple %multiple_of3A_13, 64 : i32
    %dma_start3A_15 = tpu.memref_slice %arg8[%multiple_of3A_14] : memref<10112xi32, #tpu.memory_space<vmem>> -> memref<64xi32, #tpu.memory_space<vmem>>
    %dma_start3A_16 = arith.constant 0 : i32
    %dma_start3A_17 = arith.constant 0 : i32
    %dma_start3A_18 = tpu.memref_slice %arg11[%dma_start3A_16, %dma_start3A_17] : memref<10112x128xf32, #tpu.memory_space<vmem_shared>> -> memref<10112x128xf32, #tpu.memory_space<vmem_shared>>
    tpu.enqueue_indirect_dma source(%arg9 : memref<64x128xf32, #tpu.memory_space<vmem>>) target(%dma_start3A_18 : memref<10112x128xf32, #tpu.memory_space<vmem_shared>>) offsets(%dma_start3A_15 : memref<64xi32, #tpu.memory_space<vmem>>) semaphore(%arg14 : memref<!tpu.dma_semaphore, #tpu.memory_space<semaphore_mem>>) {add = true}
    %multiple_of3A_19 = arith.constant 64 : i32
    %multiple_of3A_20 = tpu.assume_multiple %multiple_of3A_19, 64 : i32
    %dma_start3A_21 = tpu.memref_slice %arg7[%multiple_of3A_20] : memref<10112xi32, #tpu.memory_space<vmem>> -> memref<64xi32, #tpu.memory_space<vmem>>
    %dma_start3A_22 = arith.constant 0 : i32
    %dma_start3A_23 = arith.constant 0 : i32
    %dma_start3A_24 = tpu.memref_slice %arg4[%dma_start3A_22, %dma_start3A_23] : memref<10000x128xf32, #tpu.memory_space<hbm>> -> memref<10000x128xf32, #tpu.memory_space<hbm>>
    tpu.enqueue_indirect_dma source(%dma_start3A_24 : memref<10000x128xf32, #tpu.memory_space<hbm>>) target(%arg10 : memref<64x128xf32, #tpu.memory_space<vmem>>) offsets(%dma_start3A_21 : memref<64xi32, #tpu.memory_space<vmem>>) semaphore(%arg13 : memref<!tpu.dma_semaphore, #tpu.memory_space<semaphore_mem>>)
    %scan3A = arith.constant 0 : i32
    %scan3A_25 = arith.constant 0 : i32
    %scan3A_26 = arith.constant 78 : i32
    %scan3A_27 = arith.addi %scan3A_25, %scan3A_26 : i32
    %scan3A_28 = arith.constant 1 : i32
    scf.for %scan3A_55 = %scan3A_25 to %scan3A_27 step %scan3A_28  : i32 {
      %mul3A_56 = arith.constant 2 : i32
      %mul3A_57 = arith.muli %mul3A_56, %scan3A_55 : i32
      %dma_wait3A_58 = arith.constant 0 : i32
      %dma_wait3A_59 = arith.constant 0 : i32
      %dma_wait3A_60 = tpu.memref_slice %arg4[%dma_wait3A_58, %dma_wait3A_59] : memref<10000x128xf32, #tpu.memory_space<hbm>> -> memref<64x128xf32, #tpu.memory_space<hbm>>
      %dma_wait3A_61 = arith.constant 0 : i32
      %dma_wait3A_62 = arith.constant 0 : i32
      %dma_wait3A_63 = tpu.memref_slice %arg4[%dma_wait3A_61, %dma_wait3A_62] : memref<10000x128xf32, #tpu.memory_space<hbm>> -> memref<64x128xf32, #tpu.memory_space<hbm>>
      tpu.wait_dma2 semaphore(%arg13 : memref<!tpu.dma_semaphore, #tpu.memory_space<semaphore_mem>>) src(%dma_wait3A_63 : memref<64x128xf32, #tpu.memory_space<hbm>>) dst(%arg10 : memref<64x128xf32, #tpu.memory_space<vmem>>)
      %add3A_64 = arith.constant 1 : i32
      %add3A_65 = arith.addi %mul3A_57, %add3A_64 : i32
      %mul3A_66 = arith.constant 64 : i32
      %mul3A_67 = arith.muli %add3A_65, %mul3A_66 : i32
      %multiple_of3A_68 = tpu.assume_multiple %mul3A_67, 64 : i32
      %dma_start3A_69 = tpu.memref_slice %arg8[%multiple_of3A_68] : memref<10112xi32, #tpu.memory_space<vmem>> -> memref<64xi32, #tpu.memory_space<vmem>>
      %dma_start3A_70 = arith.constant 0 : i32
      %dma_start3A_71 = arith.constant 0 : i32
      %dma_start3A_72 = tpu.memref_slice %arg11[%dma_start3A_70, %dma_start3A_71] : memref<10112x128xf32, #tpu.memory_space<vmem_shared>> -> memref<10112x128xf32, #tpu.memory_space<vmem_shared>>
      tpu.enqueue_indirect_dma source(%arg10 : memref<64x128xf32, #tpu.memory_space<vmem>>) target(%dma_start3A_72 : memref<10112x128xf32, #tpu.memory_space<vmem_shared>>) offsets(%dma_start3A_69 : memref<64xi32, #tpu.memory_space<vmem>>) semaphore(%arg15 : memref<!tpu.dma_semaphore, #tpu.memory_space<semaphore_mem>>) {add = true}
      %dma_wait3A_73 = arith.constant 0 : i32
      %dma_wait3A_74 = arith.constant 0 : i32
      %dma_wait3A_75 = tpu.memref_slice %arg11[%dma_wait3A_73, %dma_wait3A_74] : memref<10112x128xf32, #tpu.memory_space<vmem_shared>> -> memref<64x128xf32, #tpu.memory_space<vmem_shared>>
      %dma_wait3A_76 = arith.constant 0 : i32
      %dma_wait3A_77 = arith.constant 0 : i32
      %dma_wait3A_78 = tpu.memref_slice %arg11[%dma_wait3A_76, %dma_wait3A_77] : memref<10112x128xf32, #tpu.memory_space<vmem_shared>> -> memref<64x128xf32, #tpu.memory_space<vmem_shared>>
      tpu.wait_dma2 semaphore(%arg14 : memref<!tpu.dma_semaphore, #tpu.memory_space<semaphore_mem>>) src(%arg9 : memref<64x128xf32, #tpu.memory_space<vmem>>) dst(%dma_wait3A_78 : memref<64x128xf32, #tpu.memory_space<vmem_shared>>)
      %add3A_79 = arith.constant 2 : i32
      %add3A_80 = arith.addi %mul3A_57, %add3A_79 : i32
      %mul3A_81 = arith.constant 64 : i32
      %mul3A_82 = arith.muli %add3A_80, %mul3A_81 : i32
      %multiple_of3A_83 = tpu.assume_multiple %mul3A_82, 64 : i32
      %dma_start3A_84 = tpu.memref_slice %arg7[%multiple_of3A_83] : memref<10112xi32, #tpu.memory_space<vmem>> -> memref<64xi32, #tpu.memory_space<vmem>>
      %dma_start3A_85 = arith.constant 0 : i32
      %dma_start3A_86 = arith.constant 0 : i32
      %dma_start3A_87 = tpu.memref_slice %arg4[%dma_start3A_85, %dma_start3A_86] : memref<10000x128xf32, #tpu.memory_space<hbm>> -> memref<10000x128xf32, #tpu.memory_space<hbm>>
      tpu.enqueue_indirect_dma source(%dma_start3A_87 : memref<10000x128xf32, #tpu.memory_space<hbm>>) target(%arg9 : memref<64x128xf32, #tpu.memory_space<vmem>>) offsets(%dma_start3A_84 : memref<64xi32, #tpu.memory_space<vmem>>) semaphore(%arg12 : memref<!tpu.dma_semaphore, #tpu.memory_space<semaphore_mem>>)
      %add3A_88 = arith.constant 1 : i32
      %add3A_89 = arith.addi %mul3A_57, %add3A_88 : i32
      %dma_wait3A_90 = arith.constant 0 : i32
      %dma_wait3A_91 = arith.constant 0 : i32
      %dma_wait3A_92 = tpu.memref_slice %arg4[%dma_wait3A_90, %dma_wait3A_91] : memref<10000x128xf32, #tpu.memory_space<hbm>> -> memref<64x128xf32, #tpu.memory_space<hbm>>
      %dma_wait3A_93 = arith.constant 0 : i32
      %dma_wait3A_94 = arith.constant 0 : i32
      %dma_wait3A_95 = tpu.memref_slice %arg4[%dma_wait3A_93, %dma_wait3A_94] : memref<10000x128xf32, #tpu.memory_space<hbm>> -> memref<64x128xf32, #tpu.memory_space<hbm>>
      tpu.wait_dma2 semaphore(%arg12 : memref<!tpu.dma_semaphore, #tpu.memory_space<semaphore_mem>>) src(%dma_wait3A_95 : memref<64x128xf32, #tpu.memory_space<hbm>>) dst(%arg9 : memref<64x128xf32, #tpu.memory_space<vmem>>)
      %add3A_96 = arith.constant 2 : i32
      %add3A_97 = arith.addi %mul3A_57, %add3A_96 : i32
      %mul3A_98 = arith.constant 64 : i32
      %mul3A_99 = arith.muli %add3A_97, %mul3A_98 : i32
      %multiple_of3A_100 = tpu.assume_multiple %mul3A_99, 64 : i32
      %dma_start3A_101 = tpu.memref_slice %arg8[%multiple_of3A_100] : memref<10112xi32, #tpu.memory_space<vmem>> -> memref<64xi32, #tpu.memory_space<vmem>>
      %dma_start3A_102 = arith.constant 0 : i32
      %dma_start3A_103 = arith.constant 0 : i32
      %dma_start3A_104 = tpu.memref_slice %arg11[%dma_start3A_102, %dma_start3A_103] : memref<10112x128xf32, #tpu.memory_space<vmem_shared>> -> memref<10112x128xf32, #tpu.memory_space<vmem_shared>>
      tpu.enqueue_indirect_dma source(%arg9 : memref<64x128xf32, #tpu.memory_space<vmem>>) target(%dma_start3A_104 : memref<10112x128xf32, #tpu.memory_space<vmem_shared>>) offsets(%dma_start3A_101 : memref<64xi32, #tpu.memory_space<vmem>>) semaphore(%arg14 : memref<!tpu.dma_semaphore, #tpu.memory_space<semaphore_mem>>) {add = true}
      %dma_wait3A_105 = arith.constant 0 : i32
      %dma_wait3A_106 = arith.constant 0 : i32
      %dma_wait3A_107 = tpu.memref_slice %arg11[%dma_wait3A_105, %dma_wait3A_106] : memref<10112x128xf32, #tpu.memory_space<vmem_shared>> -> memref<64x128xf32, #tpu.memory_space<vmem_shared>>
      %dma_wait3A_108 = arith.constant 0 : i32
      %dma_wait3A_109 = arith.constant 0 : i32
      %dma_wait3A_110 = tpu.memref_slice %arg11[%dma_wait3A_108, %dma_wait3A_109] : memref<10112x128xf32, #tpu.memory_space<vmem_shared>> -> memref<64x128xf32, #tpu.memory_space<vmem_shared>>
      tpu.wait_dma2 semaphore(%arg15 : memref<!tpu.dma_semaphore, #tpu.memory_space<semaphore_mem>>) src(%arg10 : memref<64x128xf32, #tpu.memory_space<vmem>>) dst(%dma_wait3A_110 : memref<64x128xf32, #tpu.memory_space<vmem_shared>>)
      %add3A_111 = arith.constant 3 : i32
      %add3A_112 = arith.addi %mul3A_57, %add3A_111 : i32
      %mul3A_113 = arith.constant 64 : i32
      %mul3A_114 = arith.muli %add3A_112, %mul3A_113 : i32
      %multiple_of3A_115 = tpu.assume_multiple %mul3A_114, 64 : i32
      %dma_start3A_116 = tpu.memref_slice %arg7[%multiple_of3A_115] : memref<10112xi32, #tpu.memory_space<vmem>> -> memref<64xi32, #tpu.memory_space<vmem>>
      %dma_start3A_117 = arith.constant 0 : i32
      %dma_start3A_118 = arith.constant 0 : i32
      %dma_start3A_119 = tpu.memref_slice %arg4[%dma_start3A_117, %dma_start3A_118] : memref<10000x128xf32, #tpu.memory_space<hbm>> -> memref<10000x128xf32, #tpu.memory_space<hbm>>
      tpu.enqueue_indirect_dma source(%dma_start3A_119 : memref<10000x128xf32, #tpu.memory_space<hbm>>) target(%arg10 : memref<64x128xf32, #tpu.memory_space<vmem>>) offsets(%dma_start3A_116 : memref<64xi32, #tpu.memory_space<vmem>>) semaphore(%arg13 : memref<!tpu.dma_semaphore, #tpu.memory_space<semaphore_mem>>)
      %add3A_120 = arith.constant 2 : i32
      %add3A_121 = arith.addi %mul3A_57, %add3A_120 : i32
    }
    %scan3A_29 = arith.constant 78 : i32
    %dma_wait3A_30 = arith.constant 0 : i32
    %dma_wait3A_31 = arith.constant 0 : i32
    %dma_wait3A_32 = tpu.memref_slice %arg4[%dma_wait3A_30, %dma_wait3A_31] : memref<10000x128xf32, #tpu.memory_space<hbm>> -> memref<64x128xf32, #tpu.memory_space<hbm>>
    %dma_wait3A_33 = arith.constant 0 : i32
    %dma_wait3A_34 = arith.constant 0 : i32
    %dma_wait3A_35 = tpu.memref_slice %arg4[%dma_wait3A_33, %dma_wait3A_34] : memref<10000x128xf32, #tpu.memory_space<hbm>> -> memref<64x128xf32, #tpu.memory_space<hbm>>
    tpu.wait_dma2 semaphore(%arg13 : memref<!tpu.dma_semaphore, #tpu.memory_space<semaphore_mem>>) src(%dma_wait3A_35 : memref<64x128xf32, #tpu.memory_space<hbm>>) dst(%arg10 : memref<64x128xf32, #tpu.memory_space<vmem>>)
    %multiple_of3A_36 = arith.constant 10048 : i32
    %multiple_of3A_37 = tpu.assume_multiple %multiple_of3A_36, 64 : i32
    %dma_start3A_38 = tpu.memref_slice %arg8[%multiple_of3A_37] : memref<10112xi32, #tpu.memory_space<vmem>> -> memref<64xi32, #tpu.memory_space<vmem>>
    %dma_start3A_39 = arith.constant 0 : i32
    %dma_start3A_40 = arith.constant 0 : i32
    %dma_start3A_41 = tpu.memref_slice %arg11[%dma_start3A_39, %dma_start3A_40] : memref<10112x128xf32, #tpu.memory_space<vmem_shared>> -> memref<10112x128xf32, #tpu.memory_space<vmem_shared>>
    tpu.enqueue_indirect_dma source(%arg10 : memref<64x128xf32, #tpu.memory_space<vmem>>) target(%dma_start3A_41 : memref<10112x128xf32, #tpu.memory_space<vmem_shared>>) offsets(%dma_start3A_38 : memref<64xi32, #tpu.memory_space<vmem>>) semaphore(%arg15 : memref<!tpu.dma_semaphore, #tpu.memory_space<semaphore_mem>>) {add = true}
    %dma_wait3A_42 = arith.constant 0 : i32
    %dma_wait3A_43 = arith.constant 0 : i32
    %dma_wait3A_44 = tpu.memref_slice %arg11[%dma_wait3A_42, %dma_wait3A_43] : memref<10112x128xf32, #tpu.memory_space<vmem_shared>> -> memref<64x128xf32, #tpu.memory_space<vmem_shared>>
    %dma_wait3A_45 = arith.constant 0 : i32
    %dma_wait3A_46 = arith.constant 0 : i32
    %dma_wait3A_47 = tpu.memref_slice %arg11[%dma_wait3A_45, %dma_wait3A_46] : memref<10112x128xf32, #tpu.memory_space<vmem_shared>> -> memref<64x128xf32, #tpu.memory_space<vmem_shared>>
    tpu.wait_dma2 semaphore(%arg14 : memref<!tpu.dma_semaphore, #tpu.memory_space<semaphore_mem>>) src(%arg9 : memref<64x128xf32, #tpu.memory_space<vmem>>) dst(%dma_wait3A_47 : memref<64x128xf32, #tpu.memory_space<vmem_shared>>)
    %dma_wait3A_48 = arith.constant 0 : i32
    %dma_wait3A_49 = arith.constant 0 : i32
    %dma_wait3A_50 = tpu.memref_slice %arg11[%dma_wait3A_48, %dma_wait3A_49] : memref<10112x128xf32, #tpu.memory_space<vmem_shared>> -> memref<64x128xf32, #tpu.memory_space<vmem_shared>>
    %dma_wait3A_51 = arith.constant 0 : i32
    %dma_wait3A_52 = arith.constant 0 : i32
    %dma_wait3A_53 = tpu.memref_slice %arg11[%dma_wait3A_51, %dma_wait3A_52] : memref<10112x128xf32, #tpu.memory_space<vmem_shared>> -> memref<64x128xf32, #tpu.memory_space<vmem_shared>>
    tpu.wait_dma2 semaphore(%arg15 : memref<!tpu.dma_semaphore, #tpu.memory_space<semaphore_mem>>) src(%arg10 : memref<64x128xf32, #tpu.memory_space<vmem>>) dst(%dma_wait3A_53 : memref<64x128xf32, #tpu.memory_space<vmem_shared>>)
    %barrier3A_54 = arith.constant 0 : index
    tpu.barrier barrier_id(%barrier3A_54)
    "tpu.region"() ({
      %run_scoped3A = tpu.sem_alloc : memref<!tpu.dma_semaphore, #tpu.memory_space<semaphore_mem>>
      %dma_start3A_55 = arith.constant 0 : i32
      %dma_start3A_56 = tpu.memref_slice %arg6[%arg0, %mul3A_2, %dma_start3A_55] : memref<2x10112x128xf32, #tpu.memory_space<hbm>> -> memref<1x632x128xf32, #tpu.memory_space<hbm>>
      %dma_start3A_57 = tpu.memref_squeeze %dma_start3A_56 : memref<1x632x128xf32, #tpu.memory_space<hbm>> -> memref<632x128xf32, #tpu.memory_space<hbm>>
      %dma_start3A_58 = arith.constant 0 : i32
      %dma_start3A_59 = tpu.memref_slice %arg11[%mul3A_2, %dma_start3A_58] : memref<10112x128xf32, #tpu.memory_space<vmem_shared>> -> memref<632x128xf32, #tpu.memory_space<vmem_shared>>
      tpu.enqueue_dma source(%dma_start3A_59 : memref<632x128xf32, #tpu.memory_space<vmem_shared>>) target(%dma_start3A_57 : memref<632x128xf32, #tpu.memory_space<hbm>>) target_semaphore(%run_scoped3A : memref<!tpu.dma_semaphore, #tpu.memory_space<semaphore_mem>>)
      %dma_wait3A_60 = arith.constant 0 : i32
      %dma_wait3A_61 = tpu.memref_slice %arg6[%arg0, %mul3A_2, %dma_wait3A_60] : memref<2x10112x128xf32, #tpu.memory_space<hbm>> -> memref<1x632x128xf32, #tpu.memory_space<hbm>>
      %dma_wait3A_62 = tpu.memref_squeeze %dma_wait3A_61 : memref<1x632x128xf32, #tpu.memory_space<hbm>> -> memref<632x128xf32, #tpu.memory_space<hbm>>
      %dma_wait3A_63 = arith.constant 0 : i32
      %dma_wait3A_64 = tpu.memref_slice %arg11[%mul3A_2, %dma_wait3A_63] : memref<10112x128xf32, #tpu.memory_space<vmem_shared>> -> memref<632x128xf32, #tpu.memory_space<vmem_shared>>
      tpu.wait_dma2 semaphore(%run_scoped3A : memref<!tpu.dma_semaphore, #tpu.memory_space<semaphore_mem>>) src(%dma_wait3A_64 : memref<632x128xf32, #tpu.memory_space<vmem_shared>>) dst(%dma_wait3A_62 : memref<632x128xf32, #tpu.memory_space<hbm>>)
      tpu.yield
    }) : () -> ()
    return
  }
}

module attributes {stable_mosaic.version = 14 : i64} {
  func.func @body(%arg0: i32, %arg1: memref<2000x128xf32, #tpu.memory_space<vmem>>, %arg2: memref<128x128xf32, #tpu.memory_space<vmem>>, %arg3: memref<128x128xf32, #tpu.memory_space<vmem>>, %arg4: memref<1x128xf32, #tpu.memory_space<vmem>>, %arg5: memref<2000x128xf32, #tpu.memory_space<vmem>>, %arg6: memref<2000x128xf32, #tpu.memory_space<vmem>>) attributes {dimension_semantics = [#tpu.dimension_semantics<arbitrary>], iteration_bounds = array<i64: 5>, scalar_prefetch = 0 : i64, scratch_operands = 0 : i64, tpu.core_type = #tpu.core_type<tc>, window_params = [{transform_indices = @transform_0, window_bounds = array<i64: 2000, 128>}, {pipeline_mode = #tpu.pipeline_mode<synchronous>, transform_indices = @transform_1, window_bounds = array<i64: 128, 128>}, {pipeline_mode = #tpu.pipeline_mode<synchronous>, transform_indices = @transform_2, window_bounds = array<i64: 128, 128>}, {pipeline_mode = #tpu.pipeline_mode<synchronous>, transform_indices = @transform_3, window_bounds = array<i64: 1, 128>}, {transform_indices = @transform_4, window_bounds = array<i64: 2000, 128>}, {transform_indices = @transform_5, window_bounds = array<i64: 2000, 128>}]} {
    %get3A = arith.constant 0 : index
    %get3A_0 = arith.constant 0 : index
    %get3A_1 = vector.load %arg1[%get3A, %get3A_0] : memref<2000x128xf32, #tpu.memory_space<vmem>>, vector<2000x128xf32>
    %get3A_2 = arith.constant 0 : index
    %get3A_3 = arith.constant 0 : index
    %get3A_4 = vector.load %arg2[%get3A_2, %get3A_3] : memref<128x128xf32, #tpu.memory_space<vmem>>, vector<128x128xf32>
    %dot_general3A = arith.constant dense<0.000000e+00> : vector<2000x128xf32>
    %dot_general3A_5 = tpu.matmul %get3A_1, %get3A_4, %dot_general3A {dimension_numbers = #tpu.dot_dimension_numbers<[1], [0], [0], [1], [0, 0, 1, 1], [], []>, transpose_lhs_hint = false} : vector<2000x128xf32>, vector<128x128xf32>, vector<2000x128xf32> -> vector<2000x128xf32>
    %get3A_6 = arith.constant 0 : index
    %get3A_7 = arith.constant 0 : index
    %get3A_8 = vector.load %arg4[%get3A_6, %get3A_7] : memref<1x128xf32, #tpu.memory_space<vmem>>, vector<1x128xf32>
    %add3A = vector.broadcast %get3A_8 : vector<1x128xf32> to vector<2000x128xf32>
    %add3A_9 = arith.addf %dot_general3A_5, %add3A : vector<2000x128xf32>
    %swap3A = arith.constant 0 : index
    %swap3A_10 = arith.constant 0 : index
    %swap3A_11 = vector.load %arg5[%swap3A, %swap3A_10] : memref<2000x128xf32, #tpu.memory_space<vmem>>, vector<2000x128xf32>
    tpu.vector_store %arg5[%swap3A, %swap3A_10], %add3A_9 {strides = array<i32>} : memref<2000x128xf32, #tpu.memory_space<vmem>>, vector<2000x128xf32>,
    %get3A_12 = arith.constant 0 : index
    %get3A_13 = arith.constant 0 : index
    %get3A_14 = vector.load %arg3[%get3A_12, %get3A_13] : memref<128x128xf32, #tpu.memory_space<vmem>>, vector<128x128xf32>
    %dot_general3A_15 = arith.constant dense<0.000000e+00> : vector<2000x128xf32>
    %dot_general3A_16 = tpu.matmul %get3A_1, %get3A_14, %dot_general3A_15 {dimension_numbers = #tpu.dot_dimension_numbers<[1], [0], [0], [1], [0, 0, 1, 1], [], []>, transpose_lhs_hint = false} : vector<2000x128xf32>, vector<128x128xf32>, vector<2000x128xf32> -> vector<2000x128xf32>
    %swap3A_17 = arith.constant 0 : index
    %swap3A_18 = arith.constant 0 : index
    %swap3A_19 = vector.load %arg6[%swap3A_17, %swap3A_18] : memref<2000x128xf32, #tpu.memory_space<vmem>>, vector<2000x128xf32>
    tpu.vector_store %arg6[%swap3A_17, %swap3A_18], %dot_general3A_16 {strides = array<i32>} : memref<2000x128xf32, #tpu.memory_space<vmem>>, vector<2000x128xf32>,
    return
  }
  func.func @transform_0(%arg0: i32) -> (i32, i32) {
    %c0_i32 = arith.constant 0 : i32
    %c0_i32_0 = arith.constant 0 : i32
    return %arg0, %c0_i32 : i32, i32
  }
  func.func @transform_1(%arg0: i32) -> (i32, i32) {
    %c0_i32 = arith.constant 0 : i32
    %c0_i32_0 = arith.constant 0 : i32
    %c0_i32_1 = arith.constant 0 : i32
    return %c0_i32, %c0_i32_0 : i32, i32
  }
  func.func @transform_2(%arg0: i32) -> (i32, i32) {
    %c0_i32 = arith.constant 0 : i32
    %c0_i32_0 = arith.constant 0 : i32
    %c0_i32_1 = arith.constant 0 : i32
    return %c0_i32, %c0_i32_0 : i32, i32
  }
  func.func @transform_3(%arg0: i32) -> (i32, i32) {
    %c0_i32 = arith.constant 0 : i32
    %c0_i32_0 = arith.constant 0 : i32
    %c0_i32_1 = arith.constant 0 : i32
    return %c0_i32, %c0_i32_0 : i32, i32
  }
  func.func @transform_4(%arg0: i32) -> (i32, i32) {
    %c0_i32 = arith.constant 0 : i32
    %c0_i32_0 = arith.constant 0 : i32
    return %arg0, %c0_i32 : i32, i32
  }
  func.func @transform_5(%arg0: i32) -> (i32, i32) {
    %c0_i32 = arith.constant 0 : i32
    %c0_i32_0 = arith.constant 0 : i32
    return %arg0, %c0_i32 : i32, i32
  }
}

module attributes {stable_mosaic.version = 14 : i64} {
  func.func @body(%arg0: i32, %arg1: memref<2000x128xf32, #tpu.memory_space<vmem>>, %arg2: memref<2000x128xf32, #tpu.memory_space<vmem>>, %arg3: memref<2000x128xf32, #tpu.memory_space<vmem>>, %arg4: memref<2000x32xf32, #tpu.memory_space<vmem>>, %arg5: memref<128x128xf32, #tpu.memory_space<vmem>>, %arg6: memref<128x128xf32, #tpu.memory_space<vmem>>, %arg7: memref<1x128xf32, #tpu.memory_space<vmem>>, %arg8: memref<2000x128xf32, #tpu.memory_space<vmem>>, %arg9: memref<2000x128xf32, #tpu.memory_space<vmem>>) attributes {dimension_semantics = [#tpu.dimension_semantics<arbitrary>], iteration_bounds = array<i64: 5>, scalar_prefetch = 0 : i64, scratch_operands = 0 : i64, tpu.core_type = #tpu.core_type<tc>, window_params = [{transform_indices = @transform_0, window_bounds = array<i64: 2000, 128>}, {transform_indices = @transform_1, window_bounds = array<i64: 2000, 128>}, {transform_indices = @transform_2, window_bounds = array<i64: 2000, 128>}, {transform_indices = @transform_3, window_bounds = array<i64: 2000, 32>}, {pipeline_mode = #tpu.pipeline_mode<synchronous>, transform_indices = @transform_4, window_bounds = array<i64: 128, 128>}, {pipeline_mode = #tpu.pipeline_mode<synchronous>, transform_indices = @transform_5, window_bounds = array<i64: 128, 128>}, {pipeline_mode = #tpu.pipeline_mode<synchronous>, transform_indices = @transform_6, window_bounds = array<i64: 1, 128>}, {transform_indices = @transform_7, window_bounds = array<i64: 2000, 128>}, {transform_indices = @transform_8, window_bounds = array<i64: 2000, 128>}]} {
    %get3A = arith.constant 0 : index
    %get3A_0 = arith.constant 0 : index
    %get3A_1 = vector.load %arg4[%get3A, %get3A_0] : memref<2000x32xf32, #tpu.memory_space<vmem>>, vector<2000x32xf32>
    %reduce_sum3A = arith.constant dense<0.000000e+00> : vector<2000xf32>
    %reduce_sum3A_2 = vector.multi_reduction <add>, %get3A_1, %reduce_sum3A [1] : vector<2000x32xf32> to vector<2000xf32>
    %broadcast_in_dim3A = vector.shape_cast %reduce_sum3A_2 : vector<2000xf32> to vector<2000x1xf32>
    %get3A_3 = arith.constant 0 : index
    %get3A_4 = arith.constant 0 : index
    %get3A_5 = vector.load %arg2[%get3A_3, %get3A_4] : memref<2000x128xf32, #tpu.memory_space<vmem>>, vector<2000x128xf32>
    %get3A_6 = arith.constant 0 : index
    %get3A_7 = arith.constant 0 : index
    %get3A_8 = vector.load %arg3[%get3A_6, %get3A_7] : memref<2000x128xf32, #tpu.memory_space<vmem>>, vector<2000x128xf32>
    %add3A = arith.addf %get3A_5, %get3A_8 : vector<2000x128xf32>
    %max3A = arith.constant 1.000000e+00 : f32
    %max3A_9 = vector.broadcast %max3A : f32 to vector<2000x1xf32>
    %max3A_10 = arith.maximumf %broadcast_in_dim3A, %max3A_9 : vector<2000x1xf32>
    %div3A = vector.broadcast %max3A_10 : vector<2000x1xf32> to vector<2000x128xf32>
    %div3A_11 = arith.divf %add3A, %div3A : vector<2000x128xf32>
    %get3A_12 = arith.constant 0 : index
    %get3A_13 = arith.constant 0 : index
    %get3A_14 = vector.load %arg1[%get3A_12, %get3A_13] : memref<2000x128xf32, #tpu.memory_space<vmem>>, vector<2000x128xf32>
    %add3A_15 = arith.addf %get3A_14, %div3A_11 : vector<2000x128xf32>
    %max3A_16 = arith.constant 0.000000e+00 : f32
    %max3A_17 = vector.broadcast %max3A_16 : f32 to vector<2000x128xf32>
    %max3A_18 = arith.maximumf %add3A_15, %max3A_17 : vector<2000x128xf32>
    %get3A_19 = arith.constant 0 : index
    %get3A_20 = arith.constant 0 : index
    %get3A_21 = vector.load %arg5[%get3A_19, %get3A_20] : memref<128x128xf32, #tpu.memory_space<vmem>>, vector<128x128xf32>
    %dot_general3A = arith.constant dense<0.000000e+00> : vector<2000x128xf32>
    %dot_general3A_22 = tpu.matmul %max3A_18, %get3A_21, %dot_general3A {dimension_numbers = #tpu.dot_dimension_numbers<[1], [0], [0], [1], [0, 0, 1, 1], [], []>, transpose_lhs_hint = false} : vector<2000x128xf32>, vector<128x128xf32>, vector<2000x128xf32> -> vector<2000x128xf32>
    %get3A_23 = arith.constant 0 : index
    %get3A_24 = arith.constant 0 : index
    %get3A_25 = vector.load %arg7[%get3A_23, %get3A_24] : memref<1x128xf32, #tpu.memory_space<vmem>>, vector<1x128xf32>
    %add3A_26 = vector.broadcast %get3A_25 : vector<1x128xf32> to vector<2000x128xf32>
    %add3A_27 = arith.addf %dot_general3A_22, %add3A_26 : vector<2000x128xf32>
    %swap3A = arith.constant 0 : index
    %swap3A_28 = arith.constant 0 : index
    %swap3A_29 = vector.load %arg8[%swap3A, %swap3A_28] : memref<2000x128xf32, #tpu.memory_space<vmem>>, vector<2000x128xf32>
    tpu.vector_store %arg8[%swap3A, %swap3A_28], %add3A_27 {strides = array<i32>} : memref<2000x128xf32, #tpu.memory_space<vmem>>, vector<2000x128xf32>,
    %get3A_30 = arith.constant 0 : index
    %get3A_31 = arith.constant 0 : index
    %get3A_32 = vector.load %arg6[%get3A_30, %get3A_31] : memref<128x128xf32, #tpu.memory_space<vmem>>, vector<128x128xf32>
    %dot_general3A_33 = arith.constant dense<0.000000e+00> : vector<2000x128xf32>
    %dot_general3A_34 = tpu.matmul %max3A_18, %get3A_32, %dot_general3A_33 {dimension_numbers = #tpu.dot_dimension_numbers<[1], [0], [0], [1], [0, 0, 1, 1], [], []>, transpose_lhs_hint = false} : vector<2000x128xf32>, vector<128x128xf32>, vector<2000x128xf32> -> vector<2000x128xf32>
    %swap3A_35 = arith.constant 0 : index
    %swap3A_36 = arith.constant 0 : index
    %swap3A_37 = vector.load %arg9[%swap3A_35, %swap3A_36] : memref<2000x128xf32, #tpu.memory_space<vmem>>, vector<2000x128xf32>
    tpu.vector_store %arg9[%swap3A_35, %swap3A_36], %dot_general3A_34 {strides = array<i32>} : memref<2000x128xf32, #tpu.memory_space<vmem>>, vector<2000x128xf32>,
    return
  }
  func.func @transform_0(%arg0: i32) -> (i32, i32) {
    %c0_i32 = arith.constant 0 : i32
    %c0_i32_0 = arith.constant 0 : i32
    return %arg0, %c0_i32 : i32, i32
  }
  func.func @transform_1(%arg0: i32) -> (i32, i32) {
    %c0_i32 = arith.constant 0 : i32
    %c0_i32_0 = arith.constant 0 : i32
    return %arg0, %c0_i32 : i32, i32
  }
  func.func @transform_2(%arg0: i32) -> (i32, i32) {
    %c0_i32 = arith.constant 0 : i32
    %c0_i32_0 = arith.constant 0 : i32
    return %arg0, %c0_i32 : i32, i32
  }
  func.func @transform_3(%arg0: i32) -> (i32, i32) {
    %c0_i32 = arith.constant 0 : i32
    %c0_i32_0 = arith.constant 0 : i32
    return %arg0, %c0_i32 : i32, i32
  }
  func.func @transform_4(%arg0: i32) -> (i32, i32) {
    %c0_i32 = arith.constant 0 : i32
    %c0_i32_0 = arith.constant 0 : i32
    %c0_i32_1 = arith.constant 0 : i32
    return %c0_i32, %c0_i32_0 : i32, i32
  }
  func.func @transform_5(%arg0: i32) -> (i32, i32) {
    %c0_i32 = arith.constant 0 : i32
    %c0_i32_0 = arith.constant 0 : i32
    %c0_i32_1 = arith.constant 0 : i32
    return %c0_i32, %c0_i32_0 : i32, i32
  }
  func.func @transform_6(%arg0: i32) -> (i32, i32) {
    %c0_i32 = arith.constant 0 : i32
    %c0_i32_0 = arith.constant 0 : i32
    %c0_i32_1 = arith.constant 0 : i32
    return %c0_i32, %c0_i32_0 : i32, i32
  }
  func.func @transform_7(%arg0: i32) -> (i32, i32) {
    %c0_i32 = arith.constant 0 : i32
    %c0_i32_0 = arith.constant 0 : i32
    return %arg0, %c0_i32 : i32, i32
  }
  func.func @transform_8(%arg0: i32) -> (i32, i32) {
    %c0_i32 = arith.constant 0 : i32
    %c0_i32_0 = arith.constant 0 : i32
    return %arg0, %c0_i32 : i32, i32
  }
}

module attributes {stable_mosaic.version = 14 : i64} {
  func.func @body(%arg0: i32, %arg1: memref<2000x128xf32, #tpu.memory_space<vmem>>, %arg2: memref<2000x128xf32, #tpu.memory_space<vmem>>, %arg3: memref<2000x128xf32, #tpu.memory_space<vmem>>, %arg4: memref<2000x32xf32, #tpu.memory_space<vmem>>, %arg5: memref<128x64xf32, #tpu.memory_space<vmem>>, %arg6: memref<128x128xf32, #tpu.memory_space<vmem>>, %arg7: memref<1x64xf32, #tpu.memory_space<vmem>>, %arg8: memref<2000x64xf32, #tpu.memory_space<vmem>>, %arg9: memref<2000x128xf32, #tpu.memory_space<vmem>>) attributes {dimension_semantics = [#tpu.dimension_semantics<arbitrary>], iteration_bounds = array<i64: 5>, scalar_prefetch = 0 : i64, scratch_operands = 0 : i64, tpu.core_type = #tpu.core_type<tc>, window_params = [{transform_indices = @transform_0, window_bounds = array<i64: 2000, 128>}, {transform_indices = @transform_1, window_bounds = array<i64: 2000, 128>}, {transform_indices = @transform_2, window_bounds = array<i64: 2000, 128>}, {transform_indices = @transform_3, window_bounds = array<i64: 2000, 32>}, {pipeline_mode = #tpu.pipeline_mode<synchronous>, transform_indices = @transform_4, window_bounds = array<i64: 128, 64>}, {pipeline_mode = #tpu.pipeline_mode<synchronous>, transform_indices = @transform_5, window_bounds = array<i64: 128, 128>}, {pipeline_mode = #tpu.pipeline_mode<synchronous>, transform_indices = @transform_6, window_bounds = array<i64: 1, 64>}, {transform_indices = @transform_7, window_bounds = array<i64: 2000, 64>}, {transform_indices = @transform_8, window_bounds = array<i64: 2000, 128>}]} {
    %get3A = arith.constant 0 : index
    %get3A_0 = arith.constant 0 : index
    %get3A_1 = vector.load %arg4[%get3A, %get3A_0] : memref<2000x32xf32, #tpu.memory_space<vmem>>, vector<2000x32xf32>
    %reduce_sum3A = arith.constant dense<0.000000e+00> : vector<2000xf32>
    %reduce_sum3A_2 = vector.multi_reduction <add>, %get3A_1, %reduce_sum3A [1] : vector<2000x32xf32> to vector<2000xf32>
    %broadcast_in_dim3A = vector.shape_cast %reduce_sum3A_2 : vector<2000xf32> to vector<2000x1xf32>
    %get3A_3 = arith.constant 0 : index
    %get3A_4 = arith.constant 0 : index
    %get3A_5 = vector.load %arg2[%get3A_3, %get3A_4] : memref<2000x128xf32, #tpu.memory_space<vmem>>, vector<2000x128xf32>
    %get3A_6 = arith.constant 0 : index
    %get3A_7 = arith.constant 0 : index
    %get3A_8 = vector.load %arg3[%get3A_6, %get3A_7] : memref<2000x128xf32, #tpu.memory_space<vmem>>, vector<2000x128xf32>
    %add3A = arith.addf %get3A_5, %get3A_8 : vector<2000x128xf32>
    %max3A = arith.constant 1.000000e+00 : f32
    %max3A_9 = vector.broadcast %max3A : f32 to vector<2000x1xf32>
    %max3A_10 = arith.maximumf %broadcast_in_dim3A, %max3A_9 : vector<2000x1xf32>
    %div3A = vector.broadcast %max3A_10 : vector<2000x1xf32> to vector<2000x128xf32>
    %div3A_11 = arith.divf %add3A, %div3A : vector<2000x128xf32>
    %get3A_12 = arith.constant 0 : index
    %get3A_13 = arith.constant 0 : index
    %get3A_14 = vector.load %arg1[%get3A_12, %get3A_13] : memref<2000x128xf32, #tpu.memory_space<vmem>>, vector<2000x128xf32>
    %add3A_15 = arith.addf %get3A_14, %div3A_11 : vector<2000x128xf32>
    %max3A_16 = arith.constant 0.000000e+00 : f32
    %max3A_17 = vector.broadcast %max3A_16 : f32 to vector<2000x128xf32>
    %max3A_18 = arith.maximumf %add3A_15, %max3A_17 : vector<2000x128xf32>
    %get3A_19 = arith.constant 0 : index
    %get3A_20 = arith.constant 0 : index
    %get3A_21 = vector.load %arg5[%get3A_19, %get3A_20] : memref<128x64xf32, #tpu.memory_space<vmem>>, vector<128x64xf32>
    %dot_general3A = arith.constant dense<0.000000e+00> : vector<2000x64xf32>
    %dot_general3A_22 = tpu.matmul %max3A_18, %get3A_21, %dot_general3A {dimension_numbers = #tpu.dot_dimension_numbers<[1], [0], [0], [1], [0, 0, 1, 1], [], []>, transpose_lhs_hint = false} : vector<2000x128xf32>, vector<128x64xf32>, vector<2000x64xf32> -> vector<2000x64xf32>
    %get3A_23 = arith.constant 0 : index
    %get3A_24 = arith.constant 0 : index
    %get3A_25 = vector.load %arg7[%get3A_23, %get3A_24] : memref<1x64xf32, #tpu.memory_space<vmem>>, vector<1x64xf32>
    %add3A_26 = vector.broadcast %get3A_25 : vector<1x64xf32> to vector<2000x64xf32>
    %add3A_27 = arith.addf %dot_general3A_22, %add3A_26 : vector<2000x64xf32>
    %swap3A = arith.constant 0 : index
    %swap3A_28 = arith.constant 0 : index
    %swap3A_29 = vector.load %arg8[%swap3A, %swap3A_28] : memref<2000x64xf32, #tpu.memory_space<vmem>>, vector<2000x64xf32>
    tpu.vector_store %arg8[%swap3A, %swap3A_28], %add3A_27 {strides = array<i32>} : memref<2000x64xf32, #tpu.memory_space<vmem>>, vector<2000x64xf32>,
    %get3A_30 = arith.constant 0 : index
    %get3A_31 = arith.constant 0 : index
    %get3A_32 = vector.load %arg6[%get3A_30, %get3A_31] : memref<128x128xf32, #tpu.memory_space<vmem>>, vector<128x128xf32>
    %dot_general3A_33 = arith.constant dense<0.000000e+00> : vector<2000x128xf32>
    %dot_general3A_34 = tpu.matmul %max3A_18, %get3A_32, %dot_general3A_33 {dimension_numbers = #tpu.dot_dimension_numbers<[1], [0], [0], [1], [0, 0, 1, 1], [], []>, transpose_lhs_hint = false} : vector<2000x128xf32>, vector<128x128xf32>, vector<2000x128xf32> -> vector<2000x128xf32>
    %swap3A_35 = arith.constant 0 : index
    %swap3A_36 = arith.constant 0 : index
    %swap3A_37 = vector.load %arg9[%swap3A_35, %swap3A_36] : memref<2000x128xf32, #tpu.memory_space<vmem>>, vector<2000x128xf32>
    tpu.vector_store %arg9[%swap3A_35, %swap3A_36], %dot_general3A_34 {strides = array<i32>} : memref<2000x128xf32, #tpu.memory_space<vmem>>, vector<2000x128xf32>,
    return
  }
  func.func @transform_0(%arg0: i32) -> (i32, i32) {
    %c0_i32 = arith.constant 0 : i32
    %c0_i32_0 = arith.constant 0 : i32
    return %arg0, %c0_i32 : i32, i32
  }
  func.func @transform_1(%arg0: i32) -> (i32, i32) {
    %c0_i32 = arith.constant 0 : i32
    %c0_i32_0 = arith.constant 0 : i32
    return %arg0, %c0_i32 : i32, i32
  }
  func.func @transform_2(%arg0: i32) -> (i32, i32) {
    %c0_i32 = arith.constant 0 : i32
    %c0_i32_0 = arith.constant 0 : i32
    return %arg0, %c0_i32 : i32, i32
  }
  func.func @transform_3(%arg0: i32) -> (i32, i32) {
    %c0_i32 = arith.constant 0 : i32
    %c0_i32_0 = arith.constant 0 : i32
    return %arg0, %c0_i32 : i32, i32
  }
  func.func @transform_4(%arg0: i32) -> (i32, i32) {
    %c0_i32 = arith.constant 0 : i32
    %c0_i32_0 = arith.constant 0 : i32
    %c0_i32_1 = arith.constant 0 : i32
    return %c0_i32, %c0_i32_0 : i32, i32
  }
  func.func @transform_5(%arg0: i32) -> (i32, i32) {
    %c0_i32 = arith.constant 0 : i32
    %c0_i32_0 = arith.constant 0 : i32
    %c0_i32_1 = arith.constant 0 : i32
    return %c0_i32, %c0_i32_0 : i32, i32
  }
  func.func @transform_6(%arg0: i32) -> (i32, i32) {
    %c0_i32 = arith.constant 0 : i32
    %c0_i32_0 = arith.constant 0 : i32
    %c0_i32_1 = arith.constant 0 : i32
    return %c0_i32, %c0_i32_0 : i32, i32
  }
  func.func @transform_7(%arg0: i32) -> (i32, i32) {
    %c0_i32 = arith.constant 0 : i32
    %c0_i32_0 = arith.constant 0 : i32
    return %arg0, %c0_i32 : i32, i32
  }
  func.func @transform_8(%arg0: i32) -> (i32, i32) {
    %c0_i32 = arith.constant 0 : i32
    %c0_i32_0 = arith.constant 0 : i32
    return %arg0, %c0_i32 : i32, i32
  }
}

module attributes {stable_mosaic.version = 14 : i64} {
  func.func @body(%arg0: i32, %arg1: memref<2000x64xf32, #tpu.memory_space<vmem>>, %arg2: memref<2000x128xf32, #tpu.memory_space<vmem>>, %arg3: memref<2000x128xf32, #tpu.memory_space<vmem>>, %arg4: memref<2000x32xf32, #tpu.memory_space<vmem>>, %arg5: memref<2000x64xf32, #tpu.memory_space<vmem>>) attributes {dimension_semantics = [#tpu.dimension_semantics<arbitrary>], iteration_bounds = array<i64: 5>, scalar_prefetch = 0 : i64, scratch_operands = 0 : i64, tpu.core_type = #tpu.core_type<tc>, window_params = [{transform_indices = @transform_0, window_bounds = array<i64: 2000, 64>}, {transform_indices = @transform_1, window_bounds = array<i64: 2000, 128>}, {transform_indices = @transform_2, window_bounds = array<i64: 2000, 128>}, {transform_indices = @transform_3, window_bounds = array<i64: 2000, 32>}, {transform_indices = @transform_4, window_bounds = array<i64: 2000, 64>}]} {
    %get3A = arith.constant 0 : index
    %get3A_0 = arith.constant 0 : index
    %get3A_1 = vector.load %arg4[%get3A, %get3A_0] : memref<2000x32xf32, #tpu.memory_space<vmem>>, vector<2000x32xf32>
    %reduce_sum3A = arith.constant dense<0.000000e+00> : vector<2000xf32>
    %reduce_sum3A_2 = vector.multi_reduction <add>, %get3A_1, %reduce_sum3A [1] : vector<2000x32xf32> to vector<2000xf32>
    %broadcast_in_dim3A = vector.shape_cast %reduce_sum3A_2 : vector<2000xf32> to vector<2000x1xf32>
    %get3A_3 = arith.constant 0 : index
    %get3A_4 = arith.constant 0 : index
    %get3A_5 = vector.load %arg2[%get3A_3, %get3A_4] : memref<2000x128xf32, #tpu.memory_space<vmem>>, vector<2000x64xf32>
    %get3A_6 = arith.constant 0 : index
    %get3A_7 = arith.constant 0 : index
    %get3A_8 = vector.load %arg3[%get3A_6, %get3A_7] : memref<2000x128xf32, #tpu.memory_space<vmem>>, vector<2000x64xf32>
    %add3A = arith.addf %get3A_5, %get3A_8 : vector<2000x64xf32>
    %max3A = arith.constant 1.000000e+00 : f32
    %max3A_9 = vector.broadcast %max3A : f32 to vector<2000x1xf32>
    %max3A_10 = arith.maximumf %broadcast_in_dim3A, %max3A_9 : vector<2000x1xf32>
    %div3A = vector.broadcast %max3A_10 : vector<2000x1xf32> to vector<2000x64xf32>
    %div3A_11 = arith.divf %add3A, %div3A : vector<2000x64xf32>
    %get3A_12 = arith.constant 0 : index
    %get3A_13 = arith.constant 0 : index
    %get3A_14 = vector.load %arg1[%get3A_12, %get3A_13] : memref<2000x64xf32, #tpu.memory_space<vmem>>, vector<2000x64xf32>
    %add3A_15 = arith.addf %get3A_14, %div3A_11 : vector<2000x64xf32>
    %swap3A = arith.constant 0 : index
    %swap3A_16 = arith.constant 0 : index
    %swap3A_17 = vector.load %arg5[%swap3A, %swap3A_16] : memref<2000x64xf32, #tpu.memory_space<vmem>>, vector<2000x64xf32>
    tpu.vector_store %arg5[%swap3A, %swap3A_16], %add3A_15 {strides = array<i32>} : memref<2000x64xf32, #tpu.memory_space<vmem>>, vector<2000x64xf32>,
    return
  }
  func.func @transform_0(%arg0: i32) -> (i32, i32) {
    %c0_i32 = arith.constant 0 : i32
    %c0_i32_0 = arith.constant 0 : i32
    return %arg0, %c0_i32 : i32, i32
  }
  func.func @transform_1(%arg0: i32) -> (i32, i32) {
    %c0_i32 = arith.constant 0 : i32
    %c0_i32_0 = arith.constant 0 : i32
    return %arg0, %c0_i32 : i32, i32
  }
  func.func @transform_2(%arg0: i32) -> (i32, i32) {
    %c0_i32 = arith.constant 0 : i32
    %c0_i32_0 = arith.constant 0 : i32
    return %arg0, %c0_i32 : i32, i32
  }
  func.func @transform_3(%arg0: i32) -> (i32, i32) {
    %c0_i32 = arith.constant 0 : i32
    %c0_i32_0 = arith.constant 0 : i32
    return %arg0, %c0_i32 : i32, i32
  }
  func.func @transform_4(%arg0: i32) -> (i32, i32) {
    %c0_i32 = arith.constant 0 : i32
    %c0_i32_0 = arith.constant 0 : i32
    return %arg0, %c0_i32 : i32, i32
  }
}

</mosaic_0001>

<sc_bundles>
// kernel: kernel.12.cloned.1.call-start
scs
__scs_entry_jumppad:
0x0: {  	(pc) =	sbr.rel $0x88, $3  }
0x1: {  	(tag) =	ssettag $0x0;
	lr =	simm.s32 $0x1  }
0x2: {  	[smem:$0x3F96] =	sst lr;
	_ =	strace $0xD0000000  }
0x3: {  	_ = 	snop  }
0x4: {  	_ = 	snop  }
0x5: {  	_ = 	snop  }
0x6: {  	_ = 	snop  }
0x7: {  	_ = 	snop  }
__scs_overlays_trampoline_lowered:
0x8: {  	[smem:$0x3FA5] =	sst s0  }
0x9: {  	[smem:$0x3FA6] =	sst s1  }
0xa: {  	[smem:$0x3FA7] =	sst s2  }
0xb: {  	[smem:$0x3FA8] =	sst s3  }
0xc: {  	[smem:$0x3FA9] =	sst s4  }
0xd: {  	[smem:$0x3FAA] =	sst s5  }
0xe: {  	[smem:$0x3FAB] =	sst s6  }
0xf: {  	[smem:$0x3FAC] =	sst s7  }
0x10: {  	[smem:$0x3FAD] =	sst s8  }
0x11: {  	[smem:$0x3FAE] =	sst s9;
	s0 =	simm.s32 @!p0 $0x0  }
0x12: {  	s1 =	sld [smem:$0x3F94];
	s0 =	simm.s32 @p0 $0x1  }
0x13: {  	[smem:$0x3FAF] =	sst s0;
	s0 =	simm.s32 @!p1 $0x0  }
0x14: {  	s2 =	sld [smem:$0x3F93];
	s0 =	simm.s32 @p1 $0x1  }
0x15: {  	[smem:$0x3FB0] =	sst s0;
	s0 =	simm.s32 @!p2 $0x0  }
0x16: {  	s3 =	sld [smem:$0x3FDB];
	s0 =	simm.s32 @p2 $0x1  }
0x17: {  	s4 =	simm.s32 $0x1BF5;
	[smem:$0x3FB2] =	sst s0  }
0x18: {  	s0 =	sld [smem:$0x3F95];
	_ =	swait.ge [sflag:s4], $0x0  }
0x19: {  	s7 =	sld [smem:$0x3F96]  }
0x1a: {  	s8 =	sadd.s32 $0xFFFFE003, lr  }
0x1b: {  	s9 =	sadd.s32 $0xFFFFFEF7, lr;
	s5 =	simm.s32 $0xFFFFFFFF;
	p2 =	slt.u32 s8, $0xFFFFF086  }
0x1c: {  	p1 =	slt.u32 s9, $0xF7A;
	s5 =	simm.s32 @!p2 $0x0  }
0x1d: {  	s5 =	simm.s32 @p1 $0x1;
	p0 =	seq.s32 s7, s2  }
0x1e: {  	s7 =	smul.u32 @!p0 $0xF7A, s2;
	p2 =	seq.s32 @!p0 s5, $0x0  }
0x1f: {  	s9 =	smul.u32 $0xF7A, s1;
	s8 =	simm.s32 @!p0 $0x1BF5;
	p2 =	por !p2, p0  }
0x20: {  	[sflag:s8] =	ssyncset.s32 @!p0 $0xFFFFF086;
	s6 =	sadd.s32 @!p0 s3, s7;
	s7 =	simm.s32 @!p0 $0x108  }
0x21: {  	s3 =	sadd.s32 s3, s9;
	s6 =	sadd.s32 @!p0 $0x88, s6;
	s7 =	simm.s32 @p2 $0x1082  }
0x22: {  	[simem:s7], [sflag:s8] =	dma.local @!p0 [hbm:s6], $0xF7A  }
0x23: {  	s9 =	sor.u32 $0xD0000000, s2;
	s6 =	simm.s32 $0x108;
	_ =	swait.ge @!p0 [sflag:s8], $0x0  }
0x24: {  	s3 =	sadd.s32 $0x88, s3;
	s6 =	simm.s32 @!p1 $0x1082;
	[sflag:s4] =	ssyncset.s32 $0xFFFFF086  }
0x25: {  	[simem:s6], [sflag:s4] =	dma.local [hbm:s3], $0xF7A  }
0x26: {  	[smem:$0x3F96] =	sst s1;
	(tag) =	ssettag s2;
	_ =	strace s9  }
0x27: {  	s1 =	sld [smem:$0x3FA6]  }
0x28: {  	s2 =	sld [smem:$0x3FA7]  }
0x29: {  	s4 =	sld [smem:$0x3FA9]  }
0x2a: {  	p0 =	seq.s32 s5, $0x0;
	s5 =	sld [smem:$0x3FAA]  }
0x2b: {  	s6 =	sld [smem:$0x3FAB]  }
0x2c: {  	s7 =	sld [smem:$0x3FAC]  }
0x2d: {  	s3 =	simm.s32 $0x108;
	s8 =	sld [smem:$0x3FAD]  }
0x2e: {  	s3 =	simm.s32 @!p0 $0x1082;
	s9 =	sld [smem:$0x3FAE]  }
0x2f: {  	lr =	sadd.s32 s0, s3;
	s0 =	sld [smem:$0x3FA5]  }
0x30: {  	s3 =	sld [smem:$0x3FA8]  }
0x31: {  	[smem:$0x3FB1] =	sst s10  }
0x32: {  	s10 =	sld [smem:$0x3FAF];
	_ =	sdelay $0x3  }
0x33: {  	p0 =	seq.s32 s10, $0x1;
	s10 =	sld [smem:$0x3FB1];
	_ =	sdelay $0x3  }
0x34: {  	[smem:$0x3FB1] =	sst s10  }
0x35: {  	s10 =	sld [smem:$0x3FB0];
	_ =	sdelay $0x3  }
0x36: {  	p1 =	seq.s32 s10, $0x1;
	s10 =	sld [smem:$0x3FB1];
	_ =	sdelay $0x3  }
0x37: {  	[smem:$0x3FB1] =	sst s10  }
0x38: {  	s10 =	sld [smem:$0x3FB2]  }
0x39: {  	_ = 	snop;
	(pc) =	sbr.ind lr, $3  }
0x3a: {  	_ = 	snop  }
0x3b: {  	_ = 	snop  }
0x3c: {  	p2 =	seq.s32 s10, $0x1;
	s10 =	sld [smem:$0x3FB1]  }
0x3d: {  	_ =	shalt  }
0x3e: {  	_ =	shalt  }
0x3f: {  	_ =	shalt  }
0x40: {  	_ =	shalt  }
0x41: {  	_ =	shalt  }
0x42: {  	_ =	shalt  }
0x43: {  	_ =	shalt  }
0x44: {  	_ =	shalt  }
0x45: {  	_ =	shalt  }
0x46: {  	_ =	shalt  }
0x47: {  	_ =	shalt  }
0x48: {  	_ =	shalt  }
0x49: {  	_ =	shalt  }
0x4a: {  	_ =	shalt  }
0x4b: {  	_ =	shalt  }
0x4c: {  	_ =	shalt  }
0x4d: {  	_ =	shalt  }
0x4e: {  	_ =	shalt  }
0x4f: {  	_ =	shalt  }
0x50: {  	_ =	shalt  }
0x51: {  	_ =	shalt  }
0x52: {  	_ =	shalt  }
0x53: {  	_ =	shalt  }
0x54: {  	_ =	shalt  }
0x55: {  	_ =	shalt  }
0x56: {  	_ =	shalt  }
0x57: {  	_ =	shalt  }
0x58: {  	_ =	shalt  }
0x59: {  	_ =	shalt  }
0x5a: {  	_ =	shalt  }
0x5b: {  	_ =	shalt  }
0x5c: {  	_ =	shalt  }
0x5d: {  	_ =	shalt  }
0x5e: {  	_ =	shalt  }
0x5f: {  	_ =	shalt  }
0x60: {  	_ =	shalt  }
0x61: {  	_ =	shalt  }
0x62: {  	_ =	shalt  }
0x63: {  	_ =	shalt  }
0x64: {  	_ =	shalt  }
0x65: {  	_ =	shalt  }
0x66: {  	_ =	shalt  }
0x67: {  	_ =	shalt  }
0x68: {  	_ =	shalt  }
0x69: {  	_ =	shalt  }
0x6a: {  	_ =	shalt  }
0x6b: {  	_ =	shalt  }
0x6c: {  	_ =	shalt  }
0x6d: {  	_ =	shalt  }
0x6e: {  	_ =	shalt  }
0x6f: {  	_ =	shalt  }
0x70: {  	_ =	shalt  }
0x71: {  	_ =	shalt  }
0x72: {  	_ =	shalt  }
0x73: {  	_ =	shalt  }
0x74: {  	_ =	shalt  }
0x75: {  	_ =	shalt  }
0x76: {  	_ =	shalt  }
0x77: {  	_ =	shalt  }
0x78: {  	_ =	shalt  }
0x79: {  	_ =	shalt  }
0x7a: {  	_ =	shalt  }
0x7b: {  	_ =	shalt  }
0x7c: {  	_ =	shalt  }
0x7d: {  	_ =	shalt  }
0x7e: {  	_ =	shalt  }
0x7f: {  	_ =	shalt  }
0x80: {  	_ =	shalt  }
0x81: {  	_ =	shalt  }
0x82: {  	_ =	shalt  }
0x83: {  	_ =	shalt  }
0x84: {  	_ =	shalt  }
0x85: {  	_ =	shalt  }
0x86: {  	_ =	shalt  }
0x87: {  	_ =	shalt  }
.Lfunc_end0:
.L_simem_size_0:
called_computation.1_lowered:
.L_overlay_start_0:
0x88: {  	s2 =	sld [smem:$0x3FD9]  }
0x89: {  	s3 =	sld [smem:$0x3FFE];
	_ =	sdelay $0x1  }
0x8a: {  	s1 =	srdreg.scid  }
0x8b: {  	s0 =	sand.u32 $0x1, s1  }
0x8c: {  	s16 =	sshll.u32 s0, $0xA;
	s2 =	sadd.s32 s3, s2  }
0x8d: {  	s2 =	sadd.s32 s2, s16  }
0x8e: {  	[smem:$0x3FBD] =	sst s2  }
0x8f: {  	_ = 	snop  }
0x90: {  	(tm) =	ssettm $0x1  }
0x91: {  	s17 =	sld [smem:$0x3FFB];
	_ =	sdelay $0x3  }
0x92: {  	_ =	strace s17  }
0x93: {  	s2 =	sld [smem:$0x3FFC];
	_ =	sdelay $0x3  }
0x94: {  	_ =	strace s2  }
0x95: {  	s2 =	sld [smem:$0x3FFD];
	_ =	sdelay $0x3  }
0x96: {  	_ =	strace s2  }
0x97: {  	_ =	strace $0x8FFFFFFF  }
0x98: {  	s18 =	sld [smem:$0x3FDB];
	_ =	sdelay $0x1  }
0x99: {  	s19 =	simm.s32 $_scs_section_size  }
0x9a: {  	s4 =	simm.s32 $_size__tile_overlayer_lowered;
	s5 =	simm.s32 $_tile_overlayer_lowered  }
0x9b: {  	s22 =	simm.s32 $0x1BFF;
	s21 =	sshll.u32 s5, $0x1;
	s2 =	sadd.s32 s19, s18  }
0x9c: {  	s6 =	simm.s32 $0x0;
	s20 =	sshll.u32 s4, $0x1;
	s4 =	sadd.s32 s21, s2  }
0x9d: {  	[timem:s6], [sflag:s22] =	dma.local [hbm:s4], s20  }
0x9e: {  	_ =	swait.ge [sflag:s22], s20  }
0x9f: {  	s3 =	ssub.s32 $0x0, s20;
	[sflag:s22] =	ssyncset.done $0x0  }
0xa0: {  	[sflag:s22] =	ssyncadd.s32 s3;
	_ =	sdelay $0x1  }
0xa1: {  	s23 =	simm.s32 $0x1B8B  }
0xa2: {  	_ =	swait.ge [sflag:s23], $0x1  }
0xa3: {  	[sflag:s23] =	ssyncset.done $0x0  }
0xa4: {  	s25 =	simm.s32 $0x1B8E;
	s24 =	sld [smem:$0x3FFE];
	[sflag:s23] =	ssyncadd.s32 $0xFFFFFFFF  }
0xa5: {  	s26 =	simm.s32 $execute0_lowered;
	[smem:$0x3FD2] =	sst s25  }
0xa6: {  	s4 =	sshll.u32 s26, $0x1;
	_ =	strace $0x80000049;
	[dreg:$0x1] =	wrdreg $0xFFFFFFFF  }
0xa7: {  	s28 =	simm.s32 $_size_execute0_lowered;
	s2 =	sadd.s32 s2, s4;
	[dreg:$0x0] =	wrdreg $0x0  }
0xa8: {  	s4 =	sshll.u32 s28, $0x1;
	[dreg:$0x2] =	wrdreg s2  }
0xa9: {  	[dreg:$0x3] =	wrdreg s4  }
0xaa: {  	[dreg:$0x4] =	wrdreg $0xC0  }
0xab: {  	_ =	task [dreg:s6], $0x5FFFF  }
0xac: {  	[dreg:$0x1] =	wrdreg $0xFFFFFFFF  }
0xad: {  	[dreg:$0x0] =	wrdreg $0x60  }
0xae: {  	[dreg:$0x2] =	wrdreg s24  }
0xaf: {  	[dreg:$0x3] =	wrdreg $0x8F000  }
0xb0: {  	[dreg:$0x4] =	wrdreg $0x9  }
0xb1: {  	_ =	task.clear_ibuf [dreg:s6], $0x5FFFF;
	_ =	strace $0x90000049  }
0xb2: {  	s29 =	simm.s32 $0x9;
	_ =	strace $0x8000004B  }
0xb3: {  	_ =	swait.ge [sflag:s29], $0x1  }
0xb4: {  	[sflag:s29] =	ssyncadd.s32 $0xFFFFFFFF  }
0xb5: {  	_ =	strace $0x9000004B  }
0xb6: {  	_ =	sfence  }
0xb7: {  	s30 =	sld [smem:$0x0];
	_ =	sdelay $0x2  }
0xb8: {  	s31 =	sshll.u32 s1, $0xD;
	s1 =	sshrl.u32 s1, $0x2  }
0xb9: {  	s3 =	sand.u32 $0x4000, s31;
	s1 =	sadd.s32 s1, s30  }
0xba: {  	s0 =	sor.u32 s3, s0;
	s1 =	sshll.u32 s1, $0x11  }
0xbb: {  	s0 =	sor.u32 s1, s0  }
0xbc: {  	s0 =	sadd.s32 $0x8F2B, s0  }
0xbd: {  	[sflag:s0] =	ssyncadd.remote.s32 $0x1  }
0xbe: {  	_ =	sfence.sel $0xFFFF  }
0xbf: {  	[dreg:$0x0] =	wrdreg $0xFFFFFFFF;
	(pc) =	sbr.abs _section_cstart, $3  }
0xc0: {  	[dreg:$0x1] =	wrdreg $0xFFFFFFFF  }
0xc1: {  	_ =	task.clear_ibuf [dreg:s6], $0x2FFFF;
	_ =	strace $0x9FFFFFFF  }
0xc2: {  	(tm) =	ssettm $0x7FFFFFFF  }
0xc3: {  	_ =	shalt  }
tec
execute0_lowered:
.L_overlay_start_1:
0x0: {  	(tag) =	ssettag $0x1  }
0x1: {  	s0 =	srdreg.scid;
	s6 =	rddreg [dreg:$0x0]  }
0x2: {  	s2 =	rddreg [dreg:$0x1];
	s14 =	simm.s32 $0x400;
	s15 =	simm.s32 $0x2780  }
0x3: {  	s16 =	simm.s32 $0x40;
	s17 =	simm.s32 $0x4F00;
	s18 =	simm.s32 $0x1  }
0x4: {  	s19 =	simm.s32 $0x6F00;
	s20 =	simm.s32 $0x2;
	s21 =	simm.s32 $0x3  }
0x5: {  	s22 =	simm.s32 $0x4;
	s5 =	sand.u32 $0x1, s0;
	s0 =	stileid.u32  }
0x6: {  	s23 =	simm.s32 $0x4EC0;
	s24 =	simm.s32 $0x0;
	s26 =	smul.u32 $0x13C00, s0  }
0x7: {  	s1 =	sshll.u32 s5, $0x4;
	s3 =	sshll.u32 s0, $0x7;
	s8 =	smul.u32 $0x13C000, s5  }
0x8: {  	s5 =	ssub.s32 $0x2, s5;
	s28 =	smul.u32 $0x4F000, s0;
	s31 =	sshll.u32 s0, $0x6  }
0x9: {  	s1 =	sor.u32 s0, s1;
	s7 =	sand.u32 $0x380, s3;
	s3 =	simm.s32 $0x0  }
0xa: {  	s29 =	sshrl.u32 s5, $0x1;
	s1 =	sshrl.u32 s1, $0x3;
	[smem:$0x7FF] =	sst s3  }
0xb: {  	s10 =	sshrl.u32 s26, $0x3;
	s12 =	ssub.s32 s5, s29;
	s30 =	sshrl.u32 s28, $0x2  }
0xc: {  	s4 =	smul.u32 $0x13C00, s1;
	s1 =	rddreg [dreg:$0x2];
	s10 =	sadd.s32 s10, s6  }
0xd: {  	_ =	strace $0x8000004A;
	s13 =	sadd.s32 s30, s2;
	s5 =	sadd.s32 $0x3DC00, s10  }
0xe: {  	s10 =	smax.u32 s12, $0x1;
	s4 =	sor.u32 s7, s4;
	s7 =	sadd.s32 s26, s8  }
0xf: {  	s12 =	simm.s32 $0x5;
	s4 =	sshrl.u32 s4, $0x3;
	s7 =	sshrl.u32 s7, $0x3  }
0x10: {  	s9 =	sadd.s32 s4, s6;
	s4 =	sadd.s32 $0x16A00, s6;
	s11 =	sadd.s32 s7, s6  }
0x11: {  	s6 =	sor.u32 $0x1C05, s31;
	s7 =	sadd.s32 $0x2E00, s9;
	s8 =	sadd.s32 $0xCC00, s9  }
0x12: {  	s9 =	sadd.s32 $0x65400, s11;
	s11 =	sshrl.u32 s13, $0x3;
	s13 =	simm.s32 $0x80  }
.LBB2_1:
0x13: {  	[spmem:s11], [sflag:s6] =	dma.local [hbm:s5], $0x2780  }
0x14: {  	_ =	swait.ge [sflag:s12], $0x2780  }
0x15: {  	[sflag:s12] =	ssyncset.done $0x0  }
0x16: {  	[sflag:s12] =	ssyncadd.s32 $0xFFFFD880  }
0x17: {  	[tilespmem:s3], [sflag:$0x5] =	stream.strided.gather [hbm4b:s7+s13], $0x2780, s14, s13, $0x38;
	[tilespmem:$0x1CB00] =	vst v63  }
0x18: {  	_ =	swait.ge [sflag:s12], $0x2780  }
0x19: {  	[sflag:s12] =	ssyncset.done $0x0  }
0x1a: {  	[sflag:s12] =	ssyncadd.s32 $0xFFFFD880  }
0x1b: {  	[tilespmem:s15], [sflag:$0x5] =	stream.strided.gather [hbm4b:s8+s13], $0x2780, s14, s13, $0x38;
	[tilespmem:$0x1CB00] =	vst v63  }
0x1c: {  	_ =	swait.ge [sflag:s12], $0x2780  }
0x1d: {  	[sflag:s12] =	ssyncset.done $0x0  }
0x1e: {  	[sflag:s12] =	ssyncadd.s32 $0xFFFFD880  }
0x1f: {  	[bflag:$0x0] =	sbarrier.arrive $0xFFFF  }
0x20: {  	[tilespmem:s17], [sflag:$0x1] =	stream.indirect.gather [hbm4b:s4+s16], $0x80, s3, s16, $0xb8;
	[tilespmem:$0x1CB00] =	vst v63  }
0x21: {  	_ =	swait.ge [sflag:s18], $0x2000  }
0x22: {  	[sflag:s18] =	ssyncset.done $0x0  }
0x23: {  	[sflag:s18] =	ssyncadd.s32 $0xFFFFE000  }
0x24: {  	[spmem:s2] =	stream.indirect.scatter.add.f32 [tilespmem:s17], [sflag:$0x3], $0x80, s15, s16, $0xb8;
	[tilespmem:$0x1CB00] =	vst v63  }
0x25: {  	_ = 	snop  }
0x26: {  	[tilespmem:s19], [sflag:$0x2] =	stream.indirect.gather [hbm4b:s4+s16], $0x80, s16, s16, $0xb8;
	[tilespmem:$0x1CB00] =	vst v63  }
0x27: {  	_ =	swait.ge [sflag:s20], $0x2000  }
0x28: {  	[sflag:s20] =	ssyncset.done $0x0  }
0x29: {  	s25 =	simm.s32 $0x27C0;
	[sflag:s20] =	ssyncadd.s32 $0xFFFFE000  }
0x2a: {  	[spmem:s2] =	stream.indirect.scatter.add.f32 [tilespmem:s19], [sflag:$0x4], $0x80, s25, s16, $0xb8;
	[tilespmem:$0x1CB00] =	vst v63  }
0x2b: {  	_ =	swait.ge [sflag:s21], $0x2000  }
0x2c: {  	[sflag:s21] =	ssyncset.done $0x0  }
0x2d: {  	s30 =	simm.s32 $0x80;
	[sflag:s21] =	ssyncadd.s32 $0xFFFFE000  }
0x2e: {  	[tilespmem:s17], [sflag:$0x1] =	stream.indirect.gather [hbm4b:s4+s16], $0x80, s30, s16, $0xb8;
	[tilespmem:$0x1CB00] =	vst v63  }
0x2f: {  	_ =	swait.ge [sflag:s18], $0x2000  }
0x30: {  	[sflag:s18] =	ssyncset.done $0x0  }
0x31: {  	s31 =	simm.s32 $0x2800;
	[sflag:s18] =	ssyncadd.s32 $0xFFFFE000  }
0x32: {  	[spmem:s2] =	stream.indirect.scatter.add.f32 [tilespmem:s17], [sflag:$0x3], $0x80, s31, s16, $0xb8;
	[tilespmem:$0x1CB00] =	vst v63  }
0x33: {  	_ =	swait.ge [sflag:s22], $0x2000  }
0x34: {  	[sflag:s22] =	ssyncset.done $0x0  }
0x35: {  	s26 =	simm.s32 $0xC0;
	s25 =	simm.s32 $0xFFFF6600;
	[sflag:s22] =	ssyncadd.s32 $0xFFFFE000  }
.LBB2_2:
0x36: {  	[tilespmem:s19], [sflag:$0x2] =	stream.indirect.gather [hbm4b:s4+s16], $0x80, s26, s16, $0xb8;
	[tilespmem:$0x1CB00] =	vst v63  }
0x37: {  	s26 =	smov.u32 s25  }
0x38: {  	p0 =	sne.s32 s25, $0xFFFFFE00;
	s25 =	sadd.s32 $0x200, s25;
	_ =	swait.ge [sflag:s20], $0x2000  }
0x39: {  	s26 =	sshra.s32 s26, $0x2;
	[sflag:s20] =	ssyncset.done $0x0  }
0x3a: {  	s28 =	sadd.s32 $0x4EC0, s26;
	[sflag:s20] =	ssyncadd.s32 $0xFFFFE000  }
0x3b: {  	[spmem:s2] =	stream.indirect.scatter.add.f32 [tilespmem:s19], [sflag:$0x4], $0x80, s28, s16, $0xb8;
	[tilespmem:$0x1CB00] =	vst v63  }
0x3c: {  	_ =	swait.ge [sflag:s21], $0x2000  }
0x3d: {  	[sflag:s21] =	ssyncset.done $0x0  }
0x3e: {  	s28 =	sadd.s32 $0x2780, s26;
	[sflag:s21] =	ssyncadd.s32 $0xFFFFE000  }
0x3f: {  	[tilespmem:s17], [sflag:$0x1] =	stream.indirect.gather [hbm4b:s4+s16], $0x80, s28, s16, $0xb8;
	[tilespmem:$0x1CB00] =	vst v63  }
0x40: {  	_ =	swait.ge [sflag:s18], $0x2000  }
0x41: {  	[sflag:s18] =	ssyncset.done $0x0  }
.Ltmp0:
0x42: {  	s28 =	sadd.s32 $0x4F00, s26;
	[sflag:s18] =	ssyncadd.s32 $0xFFFFE000;
	(pc) =	sbr.rel @p0 .LBB2_2-.Ltmp0, $4  }
0x43: {  	[spmem:s2] =	stream.indirect.scatter.add.f32 [tilespmem:s17], [sflag:$0x3], $0x80, s28, s16, $0xb8;
	[tilespmem:$0x1CB00] =	vst v63  }
0x44: {  	_ =	swait.ge [sflag:s22], $0x2000  }
0x45: {  	[sflag:s22] =	ssyncset.done $0x0  }
0x46: {  	s26 =	sadd.s32 $0x27C0, s26;
	[sflag:s22] =	ssyncadd.s32 $0xFFFFE000  }
0x47: {  	[tilespmem:s19], [sflag:$0x2] =	stream.indirect.gather [hbm4b:s4+s16], $0x80, s26, s16, $0xb8;
	[tilespmem:$0x1CB00] =	vst v63  }
0x48: {  	_ =	swait.ge [sflag:s20], $0x2000  }
0x49: {  	[sflag:s20] =	ssyncset.done $0x0  }
0x4a: {  	[sflag:s20] =	ssyncadd.s32 $0xFFFFE000  }
0x4b: {  	[spmem:s2] =	stream.indirect.scatter.add.f32 [tilespmem:s19], [sflag:$0x4], $0x80, s23, s16, $0xb8;
	[tilespmem:$0x1CB00] =	vst v63  }
0x4c: {  	_ =	swait.ge [sflag:s21], $0x2000  }
0x4d: {  	[sflag:s21] =	ssyncset.done $0x0  }
0x4e: {  	[sflag:s21] =	ssyncadd.s32 $0xFFFFE000  }
0x4f: {  	_ =	swait.ge [sflag:s22], $0x2000  }
0x50: {  	s24 =	sadd.s32 $0x1, s24;
	[sflag:s22] =	ssyncset.done $0x0  }
0x51: {  	p0 =	sne.s32 s24, s10;
	[sflag:s22] =	ssyncadd.s32 $0xFFFFE000  }
.Ltmp1:
0x52: {  	[bflag:$0x0] =	sbarrier.arrive $0xFFFF;
	(pc) =	sbr.rel @p0 .LBB2_1-.Ltmp1, $4  }
0x53: {  	[hbm:s9], [sflag:s6] =	dma.local [spmem:s11], $0x2780  }
0x54: {  	_ =	swait.ge [sflag:s12], $0x2780  }
0x55: {  	[sflag:s12] =	ssyncset.done $0x0  }
0x56: {  	[sflag:s12] =	ssyncadd.s32 $0xFFFFD880  }
0x57: {  	_ =	sfence.sel $0x180000  }
0x58: {  	[bflag:$0x0] =	sbarrier.arrive $0xFFFF  }
0x59: {  	p0 =	sne.s32 s0, $0x0;
	_ =	strace $0x9000004A  }
0x5a: {  	s0 =	sadd.s32 @!p0 $0x100000, s1;
	[bflag:$0x2] =	sbarrier.arrive $0xFFFF  }
0x5b: {  	[sflag:s0] =	ssyncadd.tile.s32 @!p0 $0x1;
	_ =	shalt  }
.Lfunc_end2:
_tile_overlayer_lowered:
.L_overlay_start_2:
0x5c: {  	(tag) =	ssettag $0x2  }
0x5d: {  	s0 =	rddreg [dreg:$0x0];
	s2 =	stileid.u32  }
0x5e: {  	s1 =	rddreg [dreg:$0x1];
	p0 =	sne.s32 s2, $0x0  }
0x5f: {  	s3 =	rddreg [dreg:$0x2];
	[bflag:$0x3] =	sbarrier.arrive $0xFFFF;
	s2 =	simm.s32 @!p0 $0x1C05  }
0x60: {  	[timem:s3], [sflag:s2] =	dma.local @!p0 [hbm:s0], s1  }
0x61: {  	s0 =	simm.s32 @!p0 $0x5  }
0x62: {  	_ =	swait.ge @!p0 [sflag:s0], s1  }
0x63: {  	s1 =	ssub.s32 @!p0 $0x0, s1;
	[sflag:s0] =	ssyncset.done @!p0 $0x0  }
0x64: {  	[sflag:s0] =	ssyncadd.s32 @!p0 s1  }
0x65: {  	[bflag:$0x3] =	sbarrier.arrive $0xFFFF  }
0x66: {  	_ =	shalt  }

// kernel: kernel.15.cloned.1.call-start
scs
__scs_entry_jumppad:
0x0: {  	(pc) =	sbr.rel $0x88, $3  }
0x1: {  	(tag) =	ssettag $0x0;
	lr =	simm.s32 $0x1  }
0x2: {  	[smem:$0x3F96] =	sst lr;
	_ =	strace $0xD0000000  }
0x3: {  	_ = 	snop  }
0x4: {  	_ = 	snop  }
0x5: {  	_ = 	snop  }
0x6: {  	_ = 	snop  }
0x7: {  	_ = 	snop  }
__scs_overlays_trampoline_lowered:
0x8: {  	[smem:$0x3FA5] =	sst s0  }
0x9: {  	[smem:$0x3FA6] =	sst s1  }
0xa: {  	[smem:$0x3FA7] =	sst s2  }
0xb: {  	[smem:$0x3FA8] =	sst s3  }
0xc: {  	[smem:$0x3FA9] =	sst s4  }
0xd: {  	[smem:$0x3FAA] =	sst s5  }
0xe: {  	[smem:$0x3FAB] =	sst s6  }
0xf: {  	[smem:$0x3FAC] =	sst s7  }
0x10: {  	[smem:$0x3FAD] =	sst s8  }
0x11: {  	[smem:$0x3FAE] =	sst s9;
	s0 =	simm.s32 @!p0 $0x0  }
0x12: {  	s1 =	sld [smem:$0x3F94];
	s0 =	simm.s32 @p0 $0x1  }
0x13: {  	[smem:$0x3FAF] =	sst s0;
	s0 =	simm.s32 @!p1 $0x0  }
0x14: {  	s2 =	sld [smem:$0x3F93];
	s0 =	simm.s32 @p1 $0x1  }
0x15: {  	[smem:$0x3FB0] =	sst s0;
	s0 =	simm.s32 @!p2 $0x0  }
0x16: {  	s3 =	sld [smem:$0x3FDB];
	s0 =	simm.s32 @p2 $0x1  }
0x17: {  	s4 =	simm.s32 $0x1BF5;
	[smem:$0x3FB2] =	sst s0  }
0x18: {  	s0 =	sld [smem:$0x3F95];
	_ =	swait.ge [sflag:s4], $0x0  }
0x19: {  	s7 =	sld [smem:$0x3F96]  }
0x1a: {  	s8 =	sadd.s32 $0xFFFFE003, lr  }
0x1b: {  	s9 =	sadd.s32 $0xFFFFFEF7, lr;
	s5 =	simm.s32 $0xFFFFFFFF;
	p2 =	slt.u32 s8, $0xFFFFF086  }
0x1c: {  	p1 =	slt.u32 s9, $0xF7A;
	s5 =	simm.s32 @!p2 $0x0  }
0x1d: {  	s5 =	simm.s32 @p1 $0x1;
	p0 =	seq.s32 s7, s2  }
0x1e: {  	s7 =	smul.u32 @!p0 $0xF7A, s2;
	p2 =	seq.s32 @!p0 s5, $0x0  }
0x1f: {  	s9 =	smul.u32 $0xF7A, s1;
	s8 =	simm.s32 @!p0 $0x1BF5;
	p2 =	por !p2, p0  }
0x20: {  	[sflag:s8] =	ssyncset.s32 @!p0 $0xFFFFF086;
	s6 =	sadd.s32 @!p0 s3, s7;
	s7 =	simm.s32 @!p0 $0x108  }
0x21: {  	s3 =	sadd.s32 s3, s9;
	s6 =	sadd.s32 @!p0 $0x88, s6;
	s7 =	simm.s32 @p2 $0x1082  }
0x22: {  	[simem:s7], [sflag:s8] =	dma.local @!p0 [hbm:s6], $0xF7A  }
0x23: {  	s9 =	sor.u32 $0xD0000000, s2;
	s6 =	simm.s32 $0x108;
	_ =	swait.ge @!p0 [sflag:s8], $0x0  }
0x24: {  	s3 =	sadd.s32 $0x88, s3;
	s6 =	simm.s32 @!p1 $0x1082;
	[sflag:s4] =	ssyncset.s32 $0xFFFFF086  }
0x25: {  	[simem:s6], [sflag:s4] =	dma.local [hbm:s3], $0xF7A  }
0x26: {  	[smem:$0x3F96] =	sst s1;
	(tag) =	ssettag s2;
	_ =	strace s9  }
0x27: {  	s1 =	sld [smem:$0x3FA6]  }
0x28: {  	s2 =	sld [smem:$0x3FA7]  }
0x29: {  	s4 =	sld [smem:$0x3FA9]  }
0x2a: {  	p0 =	seq.s32 s5, $0x0;
	s5 =	sld [smem:$0x3FAA]  }
0x2b: {  	s6 =	sld [smem:$0x3FAB]  }
0x2c: {  	s7 =	sld [smem:$0x3FAC]  }
0x2d: {  	s3 =	simm.s32 $0x108;
	s8 =	sld [smem:$0x3FAD]  }
0x2e: {  	s3 =	simm.s32 @!p0 $0x1082;
	s9 =	sld [smem:$0x3FAE]  }
0x2f: {  	lr =	sadd.s32 s0, s3;
	s0 =	sld [smem:$0x3FA5]  }
0x30: {  	s3 =	sld [smem:$0x3FA8]  }
0x31: {  	[smem:$0x3FB1] =	sst s10  }
0x32: {  	s10 =	sld [smem:$0x3FAF];
	_ =	sdelay $0x3  }
0x33: {  	p0 =	seq.s32 s10, $0x1;
	s10 =	sld [smem:$0x3FB1];
	_ =	sdelay $0x3  }
0x34: {  	[smem:$0x3FB1] =	sst s10  }
0x35: {  	s10 =	sld [smem:$0x3FB0];
	_ =	sdelay $0x3  }
0x36: {  	p1 =	seq.s32 s10, $0x1;
	s10 =	sld [smem:$0x3FB1];
	_ =	sdelay $0x3  }
0x37: {  	[smem:$0x3FB1] =	sst s10  }
0x38: {  	s10 =	sld [smem:$0x3FB2]  }
0x39: {  	_ = 	snop;
	(pc) =	sbr.ind lr, $3  }
0x3a: {  	_ = 	snop  }
0x3b: {  	_ = 	snop  }
0x3c: {  	p2 =	seq.s32 s10, $0x1;
	s10 =	sld [smem:$0x3FB1]  }
0x3d: {  	_ =	shalt  }
0x3e: {  	_ =	shalt  }
0x3f: {  	_ =	shalt  }
0x40: {  	_ =	shalt  }
0x41: {  	_ =	shalt  }
0x42: {  	_ =	shalt  }
0x43: {  	_ =	shalt  }
0x44: {  	_ =	shalt  }
0x45: {  	_ =	shalt  }
0x46: {  	_ =	shalt  }
0x47: {  	_ =	shalt  }
0x48: {  	_ =	shalt  }
0x49: {  	_ =	shalt  }
0x4a: {  	_ =	shalt  }
0x4b: {  	_ =	shalt  }
0x4c: {  	_ =	shalt  }
0x4d: {  	_ =	shalt  }
0x4e: {  	_ =	shalt  }
0x4f: {  	_ =	shalt  }
0x50: {  	_ =	shalt  }
0x51: {  	_ =	shalt  }
0x52: {  	_ =	shalt  }
0x53: {  	_ =	shalt  }
0x54: {  	_ =	shalt  }
0x55: {  	_ =	shalt  }
0x56: {  	_ =	shalt  }
0x57: {  	_ =	shalt  }
0x58: {  	_ =	shalt  }
0x59: {  	_ =	shalt  }
0x5a: {  	_ =	shalt  }
0x5b: {  	_ =	shalt  }
0x5c: {  	_ =	shalt  }
0x5d: {  	_ =	shalt  }
0x5e: {  	_ =	shalt  }
0x5f: {  	_ =	shalt  }
0x60: {  	_ =	shalt  }
0x61: {  	_ =	shalt  }
0x62: {  	_ =	shalt  }
0x63: {  	_ =	shalt  }
0x64: {  	_ =	shalt  }
0x65: {  	_ =	shalt  }
0x66: {  	_ =	shalt  }
0x67: {  	_ =	shalt  }
0x68: {  	_ =	shalt  }
0x69: {  	_ =	shalt  }
0x6a: {  	_ =	shalt  }
0x6b: {  	_ =	shalt  }
0x6c: {  	_ =	shalt  }
0x6d: {  	_ =	shalt  }
0x6e: {  	_ =	shalt  }
0x6f: {  	_ =	shalt  }
0x70: {  	_ =	shalt  }
0x71: {  	_ =	shalt  }
0x72: {  	_ =	shalt  }
0x73: {  	_ =	shalt  }
0x74: {  	_ =	shalt  }
0x75: {  	_ =	shalt  }
0x76: {  	_ =	shalt  }
0x77: {  	_ =	shalt  }
0x78: {  	_ =	shalt  }
0x79: {  	_ =	shalt  }
0x7a: {  	_ =	shalt  }
0x7b: {  	_ =	shalt  }
0x7c: {  	_ =	shalt  }
0x7d: {  	_ =	shalt  }
0x7e: {  	_ =	shalt  }
0x7f: {  	_ =	shalt  }
0x80: {  	_ =	shalt  }
0x81: {  	_ =	shalt  }
0x82: {  	_ =	shalt  }
0x83: {  	_ =	shalt  }
0x84: {  	_ =	shalt  }
0x85: {  	_ =	shalt  }
0x86: {  	_ =	shalt  }
0x87: {  	_ =	shalt  }
.Lfunc_end0:
.L_simem_size_0:
called_computation.2_lowered:
.L_overlay_start_0:
0x88: {  	s2 =	sld [smem:$0x3FD9]  }
0x89: {  	s3 =	sld [smem:$0x3FFE];
	_ =	sdelay $0x1  }
0x8a: {  	s1 =	srdreg.scid  }
0x8b: {  	s0 =	sand.u32 $0x1, s1  }
0x8c: {  	s16 =	sshll.u32 s0, $0xA;
	s2 =	sadd.s32 s3, s2  }
0x8d: {  	s2 =	sadd.s32 s2, s16  }
0x8e: {  	[smem:$0x3FBD] =	sst s2  }
0x8f: {  	_ = 	snop  }
0x90: {  	(tm) =	ssettm $0x1  }
0x91: {  	s17 =	sld [smem:$0x3FFB];
	_ =	sdelay $0x3  }
0x92: {  	_ =	strace s17  }
0x93: {  	s2 =	sld [smem:$0x3FFC];
	_ =	sdelay $0x3  }
0x94: {  	_ =	strace s2  }
0x95: {  	s2 =	sld [smem:$0x3FFD];
	_ =	sdelay $0x3  }
0x96: {  	_ =	strace s2  }
0x97: {  	_ =	strace $0x8FFFFFFF  }
0x98: {  	s18 =	sld [smem:$0x3FDB];
	_ =	sdelay $0x1  }
0x99: {  	s19 =	simm.s32 $_scs_section_size  }
0x9a: {  	s4 =	simm.s32 $_size__tile_overlayer_lowered;
	s5 =	simm.s32 $_tile_overlayer_lowered  }
0x9b: {  	s22 =	simm.s32 $0x1BFF;
	s21 =	sshll.u32 s5, $0x1;
	s2 =	sadd.s32 s19, s18  }
0x9c: {  	s6 =	simm.s32 $0x0;
	s20 =	sshll.u32 s4, $0x1;
	s4 =	sadd.s32 s21, s2  }
0x9d: {  	[timem:s6], [sflag:s22] =	dma.local [hbm:s4], s20  }
0x9e: {  	_ =	swait.ge [sflag:s22], s20  }
0x9f: {  	s3 =	ssub.s32 $0x0, s20;
	[sflag:s22] =	ssyncset.done $0x0  }
0xa0: {  	[sflag:s22] =	ssyncadd.s32 s3;
	_ =	sdelay $0x1  }
0xa1: {  	s23 =	simm.s32 $0x1B8B  }
0xa2: {  	_ =	swait.ge [sflag:s23], $0x1  }
0xa3: {  	[sflag:s23] =	ssyncset.done $0x0  }
0xa4: {  	s25 =	simm.s32 $0x1B8E;
	s24 =	sld [smem:$0x3FFE];
	[sflag:s23] =	ssyncadd.s32 $0xFFFFFFFF  }
0xa5: {  	s26 =	simm.s32 $execute0_lowered;
	[smem:$0x3FD2] =	sst s25  }
0xa6: {  	s4 =	sshll.u32 s26, $0x1;
	_ =	strace $0x8000004C;
	[dreg:$0x1] =	wrdreg $0xFFFFFFFF  }
0xa7: {  	s28 =	simm.s32 $_size_execute0_lowered;
	s2 =	sadd.s32 s2, s4;
	[dreg:$0x0] =	wrdreg $0x0  }
0xa8: {  	s4 =	sshll.u32 s28, $0x1;
	[dreg:$0x2] =	wrdreg s2  }
0xa9: {  	[dreg:$0x3] =	wrdreg s4  }
0xaa: {  	[dreg:$0x4] =	wrdreg $0xC0  }
0xab: {  	_ =	task [dreg:s6], $0x5FFFF  }
0xac: {  	[dreg:$0x1] =	wrdreg $0xFFFFFFFF  }
0xad: {  	[dreg:$0x0] =	wrdreg $0x60  }
0xae: {  	[dreg:$0x2] =	wrdreg s24  }
0xaf: {  	[dreg:$0x3] =	wrdreg $0x8F000  }
0xb0: {  	[dreg:$0x4] =	wrdreg $0x9  }
0xb1: {  	_ =	task.clear_ibuf [dreg:s6], $0x5FFFF;
	_ =	strace $0x9000004C  }
0xb2: {  	s29 =	simm.s32 $0x9;
	_ =	strace $0x8000004E  }
0xb3: {  	_ =	swait.ge [sflag:s29], $0x1  }
0xb4: {  	[sflag:s29] =	ssyncadd.s32 $0xFFFFFFFF  }
0xb5: {  	_ =	strace $0x9000004E  }
0xb6: {  	_ =	sfence  }
0xb7: {  	s30 =	sld [smem:$0x0];
	_ =	sdelay $0x2  }
0xb8: {  	s31 =	sshll.u32 s1, $0xD;
	s1 =	sshrl.u32 s1, $0x2  }
0xb9: {  	s3 =	sand.u32 $0x4000, s31;
	s1 =	sadd.s32 s1, s30  }
0xba: {  	s0 =	sor.u32 s3, s0;
	s1 =	sshll.u32 s1, $0x11  }
0xbb: {  	s0 =	sor.u32 s1, s0  }
0xbc: {  	s0 =	sadd.s32 $0x8F2B, s0  }
0xbd: {  	[sflag:s0] =	ssyncadd.remote.s32 $0x1  }
0xbe: {  	_ =	sfence.sel $0xFFFF  }
0xbf: {  	[dreg:$0x0] =	wrdreg $0xFFFFFFFF;
	(pc) =	sbr.abs _section_cstart, $3  }
0xc0: {  	[dreg:$0x1] =	wrdreg $0xFFFFFFFF  }
0xc1: {  	_ =	task.clear_ibuf [dreg:s6], $0x2FFFF;
	_ =	strace $0x9FFFFFFF  }
0xc2: {  	(tm) =	ssettm $0x7FFFFFFF  }
0xc3: {  	_ =	shalt  }
tec
execute0_lowered:
.L_overlay_start_1:
0x0: {  	(tag) =	ssettag $0x1  }
0x1: {  	s0 =	srdreg.scid;
	s6 =	rddreg [dreg:$0x0]  }
0x2: {  	s2 =	rddreg [dreg:$0x1];
	s14 =	simm.s32 $0x400;
	s15 =	simm.s32 $0x2780  }
0x3: {  	s16 =	simm.s32 $0x40;
	s17 =	simm.s32 $0x4F00;
	s18 =	simm.s32 $0x1  }
0x4: {  	s19 =	simm.s32 $0x6F00;
	s20 =	simm.s32 $0x2;
	s21 =	simm.s32 $0x3  }
0x5: {  	s22 =	simm.s32 $0x4;
	s5 =	sand.u32 $0x1, s0;
	s0 =	stileid.u32  }
0x6: {  	s23 =	simm.s32 $0x4EC0;
	s24 =	simm.s32 $0x0;
	s26 =	smul.u32 $0x13C00, s0  }
0x7: {  	s1 =	sshll.u32 s5, $0x4;
	s3 =	sshll.u32 s0, $0x7;
	s8 =	smul.u32 $0x13C000, s5  }
0x8: {  	s5 =	ssub.s32 $0x2, s5;
	s28 =	smul.u32 $0x4F000, s0;
	s31 =	sshll.u32 s0, $0x6  }
0x9: {  	s1 =	sor.u32 s0, s1;
	s7 =	sand.u32 $0x380, s3;
	s3 =	simm.s32 $0x0  }
0xa: {  	s29 =	sshrl.u32 s5, $0x1;
	s1 =	sshrl.u32 s1, $0x3;
	[smem:$0x7FF] =	sst s3  }
0xb: {  	s10 =	sshrl.u32 s26, $0x3;
	s12 =	ssub.s32 s5, s29;
	s30 =	sshrl.u32 s28, $0x2  }
0xc: {  	s4 =	smul.u32 $0x13C00, s1;
	s1 =	rddreg [dreg:$0x2];
	s10 =	sadd.s32 s10, s6  }
0xd: {  	_ =	strace $0x8000004D;
	s13 =	sadd.s32 s30, s2;
	s5 =	sadd.s32 $0x3DC00, s10  }
0xe: {  	s10 =	smax.u32 s12, $0x1;
	s4 =	sor.u32 s7, s4;
	s7 =	sadd.s32 s26, s8  }
0xf: {  	s12 =	simm.s32 $0x5;
	s4 =	sshrl.u32 s4, $0x3;
	s7 =	sshrl.u32 s7, $0x3  }
0x10: {  	s9 =	sadd.s32 s4, s6;
	s4 =	sadd.s32 $0x16A00, s6;
	s11 =	sadd.s32 s7, s6  }
0x11: {  	s6 =	sor.u32 $0x1C05, s31;
	s7 =	sadd.s32 $0x2E00, s9;
	s8 =	sadd.s32 $0xCC00, s9  }
0x12: {  	s9 =	sadd.s32 $0x65400, s11;
	s11 =	sshrl.u32 s13, $0x3;
	s13 =	simm.s32 $0x80  }
.LBB2_1:
0x13: {  	[spmem:s11], [sflag:s6] =	dma.local [hbm:s5], $0x2780  }
0x14: {  	_ =	swait.ge [sflag:s12], $0x2780  }
0x15: {  	[sflag:s12] =	ssyncset.done $0x0  }
0x16: {  	[sflag:s12] =	ssyncadd.s32 $0xFFFFD880  }
0x17: {  	[tilespmem:s3], [sflag:$0x5] =	stream.strided.gather [hbm4b:s7+s13], $0x2780, s14, s13, $0x38;
	[tilespmem:$0x1CB00] =	vst v63  }
0x18: {  	_ =	swait.ge [sflag:s12], $0x2780  }
0x19: {  	[sflag:s12] =	ssyncset.done $0x0  }
0x1a: {  	[sflag:s12] =	ssyncadd.s32 $0xFFFFD880  }
0x1b: {  	[tilespmem:s15], [sflag:$0x5] =	stream.strided.gather [hbm4b:s8+s13], $0x2780, s14, s13, $0x38;
	[tilespmem:$0x1CB00] =	vst v63  }
0x1c: {  	_ =	swait.ge [sflag:s12], $0x2780  }
0x1d: {  	[sflag:s12] =	ssyncset.done $0x0  }
0x1e: {  	[sflag:s12] =	ssyncadd.s32 $0xFFFFD880  }
0x1f: {  	[bflag:$0x0] =	sbarrier.arrive $0xFFFF  }
0x20: {  	[tilespmem:s17], [sflag:$0x1] =	stream.indirect.gather [hbm4b:s4+s16], $0x80, s3, s16, $0xb8;
	[tilespmem:$0x1CB00] =	vst v63  }
0x21: {  	_ =	swait.ge [sflag:s18], $0x2000  }
0x22: {  	[sflag:s18] =	ssyncset.done $0x0  }
0x23: {  	[sflag:s18] =	ssyncadd.s32 $0xFFFFE000  }
0x24: {  	[spmem:s2] =	stream.indirect.scatter.add.f32 [tilespmem:s17], [sflag:$0x3], $0x80, s15, s16, $0xb8;
	[tilespmem:$0x1CB00] =	vst v63  }
0x25: {  	_ = 	snop  }
0x26: {  	[tilespmem:s19], [sflag:$0x2] =	stream.indirect.gather [hbm4b:s4+s16], $0x80, s16, s16, $0xb8;
	[tilespmem:$0x1CB00] =	vst v63  }
0x27: {  	_ =	swait.ge [sflag:s20], $0x2000  }
0x28: {  	[sflag:s20] =	ssyncset.done $0x0  }
0x29: {  	s25 =	simm.s32 $0x27C0;
	[sflag:s20] =	ssyncadd.s32 $0xFFFFE000  }
0x2a: {  	[spmem:s2] =	stream.indirect.scatter.add.f32 [tilespmem:s19], [sflag:$0x4], $0x80, s25, s16, $0xb8;
	[tilespmem:$0x1CB00] =	vst v63  }
0x2b: {  	_ =	swait.ge [sflag:s21], $0x2000  }
0x2c: {  	[sflag:s21] =	ssyncset.done $0x0  }
0x2d: {  	s30 =	simm.s32 $0x80;
	[sflag:s21] =	ssyncadd.s32 $0xFFFFE000  }
0x2e: {  	[tilespmem:s17], [sflag:$0x1] =	stream.indirect.gather [hbm4b:s4+s16], $0x80, s30, s16, $0xb8;
	[tilespmem:$0x1CB00] =	vst v63  }
0x2f: {  	_ =	swait.ge [sflag:s18], $0x2000  }
0x30: {  	[sflag:s18] =	ssyncset.done $0x0  }
0x31: {  	s31 =	simm.s32 $0x2800;
	[sflag:s18] =	ssyncadd.s32 $0xFFFFE000  }
0x32: {  	[spmem:s2] =	stream.indirect.scatter.add.f32 [tilespmem:s17], [sflag:$0x3], $0x80, s31, s16, $0xb8;
	[tilespmem:$0x1CB00] =	vst v63  }
0x33: {  	_ =	swait.ge [sflag:s22], $0x2000  }
0x34: {  	[sflag:s22] =	ssyncset.done $0x0  }
0x35: {  	s26 =	simm.s32 $0xC0;
	s25 =	simm.s32 $0xFFFF6600;
	[sflag:s22] =	ssyncadd.s32 $0xFFFFE000  }
.LBB2_2:
0x36: {  	[tilespmem:s19], [sflag:$0x2] =	stream.indirect.gather [hbm4b:s4+s16], $0x80, s26, s16, $0xb8;
	[tilespmem:$0x1CB00] =	vst v63  }
0x37: {  	s26 =	smov.u32 s25  }
0x38: {  	p0 =	sne.s32 s25, $0xFFFFFE00;
	s25 =	sadd.s32 $0x200, s25;
	_ =	swait.ge [sflag:s20], $0x2000  }
0x39: {  	s26 =	sshra.s32 s26, $0x2;
	[sflag:s20] =	ssyncset.done $0x0  }
0x3a: {  	s28 =	sadd.s32 $0x4EC0, s26;
	[sflag:s20] =	ssyncadd.s32 $0xFFFFE000  }
0x3b: {  	[spmem:s2] =	stream.indirect.scatter.add.f32 [tilespmem:s19], [sflag:$0x4], $0x80, s28, s16, $0xb8;
	[tilespmem:$0x1CB00] =	vst v63  }
0x3c: {  	_ =	swait.ge [sflag:s21], $0x2000  }
0x3d: {  	[sflag:s21] =	ssyncset.done $0x0  }
0x3e: {  	s28 =	sadd.s32 $0x2780, s26;
	[sflag:s21] =	ssyncadd.s32 $0xFFFFE000  }
0x3f: {  	[tilespmem:s17], [sflag:$0x1] =	stream.indirect.gather [hbm4b:s4+s16], $0x80, s28, s16, $0xb8;
	[tilespmem:$0x1CB00] =	vst v63  }
0x40: {  	_ =	swait.ge [sflag:s18], $0x2000  }
0x41: {  	[sflag:s18] =	ssyncset.done $0x0  }
.Ltmp0:
0x42: {  	s28 =	sadd.s32 $0x4F00, s26;
	[sflag:s18] =	ssyncadd.s32 $0xFFFFE000;
	(pc) =	sbr.rel @p0 .LBB2_2-.Ltmp0, $4  }
0x43: {  	[spmem:s2] =	stream.indirect.scatter.add.f32 [tilespmem:s17], [sflag:$0x3], $0x80, s28, s16, $0xb8;
	[tilespmem:$0x1CB00] =	vst v63  }
0x44: {  	_ =	swait.ge [sflag:s22], $0x2000  }
0x45: {  	[sflag:s22] =	ssyncset.done $0x0  }
0x46: {  	s26 =	sadd.s32 $0x27C0, s26;
	[sflag:s22] =	ssyncadd.s32 $0xFFFFE000  }
0x47: {  	[tilespmem:s19], [sflag:$0x2] =	stream.indirect.gather [hbm4b:s4+s16], $0x80, s26, s16, $0xb8;
	[tilespmem:$0x1CB00] =	vst v63  }
0x48: {  	_ =	swait.ge [sflag:s20], $0x2000  }
0x49: {  	[sflag:s20] =	ssyncset.done $0x0  }
0x4a: {  	[sflag:s20] =	ssyncadd.s32 $0xFFFFE000  }
0x4b: {  	[spmem:s2] =	stream.indirect.scatter.add.f32 [tilespmem:s19], [sflag:$0x4], $0x80, s23, s16, $0xb8;
	[tilespmem:$0x1CB00] =	vst v63  }
0x4c: {  	_ =	swait.ge [sflag:s21], $0x2000  }
0x4d: {  	[sflag:s21] =	ssyncset.done $0x0  }
0x4e: {  	[sflag:s21] =	ssyncadd.s32 $0xFFFFE000  }
0x4f: {  	_ =	swait.ge [sflag:s22], $0x2000  }
0x50: {  	s24 =	sadd.s32 $0x1, s24;
	[sflag:s22] =	ssyncset.done $0x0  }
0x51: {  	p0 =	sne.s32 s24, s10;
	[sflag:s22] =	ssyncadd.s32 $0xFFFFE000  }
.Ltmp1:
0x52: {  	[bflag:$0x0] =	sbarrier.arrive $0xFFFF;
	(pc) =	sbr.rel @p0 .LBB2_1-.Ltmp1, $4  }
0x53: {  	[hbm:s9], [sflag:s6] =	dma.local [spmem:s11], $0x2780  }
0x54: {  	_ =	swait.ge [sflag:s12], $0x2780  }
0x55: {  	[sflag:s12] =	ssyncset.done $0x0  }
0x56: {  	[sflag:s12] =	ssyncadd.s32 $0xFFFFD880  }
0x57: {  	_ =	sfence.sel $0x180000  }
0x58: {  	[bflag:$0x0] =	sbarrier.arrive $0xFFFF  }
0x59: {  	p0 =	sne.s32 s0, $0x0;
	_ =	strace $0x9000004D  }
0x5a: {  	s0 =	sadd.s32 @!p0 $0x100000, s1;
	[bflag:$0x2] =	sbarrier.arrive $0xFFFF  }
0x5b: {  	[sflag:s0] =	ssyncadd.tile.s32 @!p0 $0x1;
	_ =	shalt  }
.Lfunc_end2:
_tile_overlayer_lowered:
.L_overlay_start_2:
0x5c: {  	(tag) =	ssettag $0x2  }
0x5d: {  	s0 =	rddreg [dreg:$0x0];
	s2 =	stileid.u32  }
0x5e: {  	s1 =	rddreg [dreg:$0x1];
	p0 =	sne.s32 s2, $0x0  }
0x5f: {  	s3 =	rddreg [dreg:$0x2];
	[bflag:$0x3] =	sbarrier.arrive $0xFFFF;
	s2 =	simm.s32 @!p0 $0x1C05  }
0x60: {  	[timem:s3], [sflag:s2] =	dma.local @!p0 [hbm:s0], s1  }
0x61: {  	s0 =	simm.s32 @!p0 $0x5  }
0x62: {  	_ =	swait.ge @!p0 [sflag:s0], s1  }
0x63: {  	s1 =	ssub.s32 @!p0 $0x0, s1;
	[sflag:s0] =	ssyncset.done @!p0 $0x0  }
0x64: {  	[sflag:s0] =	ssyncadd.s32 @!p0 s1  }
0x65: {  	[bflag:$0x3] =	sbarrier.arrive $0xFFFF  }
0x66: {  	_ =	shalt  }

// kernel: kernel.9.cloned.1.call-start
scs
__scs_entry_jumppad:
0x0: {  	(pc) =	sbr.rel $0x88, $3  }
0x1: {  	(tag) =	ssettag $0x0;
	lr =	simm.s32 $0x1  }
0x2: {  	[smem:$0x3F96] =	sst lr;
	_ =	strace $0xD0000000  }
0x3: {  	_ = 	snop  }
0x4: {  	_ = 	snop  }
0x5: {  	_ = 	snop  }
0x6: {  	_ = 	snop  }
0x7: {  	_ = 	snop  }
__scs_overlays_trampoline_lowered:
0x8: {  	[smem:$0x3FA5] =	sst s0  }
0x9: {  	[smem:$0x3FA6] =	sst s1  }
0xa: {  	[smem:$0x3FA7] =	sst s2  }
0xb: {  	[smem:$0x3FA8] =	sst s3  }
0xc: {  	[smem:$0x3FA9] =	sst s4  }
0xd: {  	[smem:$0x3FAA] =	sst s5  }
0xe: {  	[smem:$0x3FAB] =	sst s6  }
0xf: {  	[smem:$0x3FAC] =	sst s7  }
0x10: {  	[smem:$0x3FAD] =	sst s8  }
0x11: {  	[smem:$0x3FAE] =	sst s9;
	s0 =	simm.s32 @!p0 $0x0  }
0x12: {  	s1 =	sld [smem:$0x3F94];
	s0 =	simm.s32 @p0 $0x1  }
0x13: {  	[smem:$0x3FAF] =	sst s0;
	s0 =	simm.s32 @!p1 $0x0  }
0x14: {  	s2 =	sld [smem:$0x3F93];
	s0 =	simm.s32 @p1 $0x1  }
0x15: {  	[smem:$0x3FB0] =	sst s0;
	s0 =	simm.s32 @!p2 $0x0  }
0x16: {  	s3 =	sld [smem:$0x3FDB];
	s0 =	simm.s32 @p2 $0x1  }
0x17: {  	s4 =	simm.s32 $0x1BF5;
	[smem:$0x3FB2] =	sst s0  }
0x18: {  	s0 =	sld [smem:$0x3F95];
	_ =	swait.ge [sflag:s4], $0x0  }
0x19: {  	s7 =	sld [smem:$0x3F96]  }
0x1a: {  	s8 =	sadd.s32 $0xFFFFE003, lr  }
0x1b: {  	s9 =	sadd.s32 $0xFFFFFEF7, lr;
	s5 =	simm.s32 $0xFFFFFFFF;
	p2 =	slt.u32 s8, $0xFFFFF086  }
0x1c: {  	p1 =	slt.u32 s9, $0xF7A;
	s5 =	simm.s32 @!p2 $0x0  }
0x1d: {  	s5 =	simm.s32 @p1 $0x1;
	p0 =	seq.s32 s7, s2  }
0x1e: {  	s7 =	smul.u32 @!p0 $0xF7A, s2;
	p2 =	seq.s32 @!p0 s5, $0x0  }
0x1f: {  	s9 =	smul.u32 $0xF7A, s1;
	s8 =	simm.s32 @!p0 $0x1BF5;
	p2 =	por !p2, p0  }
0x20: {  	[sflag:s8] =	ssyncset.s32 @!p0 $0xFFFFF086;
	s6 =	sadd.s32 @!p0 s3, s7;
	s7 =	simm.s32 @!p0 $0x108  }
0x21: {  	s3 =	sadd.s32 s3, s9;
	s6 =	sadd.s32 @!p0 $0x88, s6;
	s7 =	simm.s32 @p2 $0x1082  }
0x22: {  	[simem:s7], [sflag:s8] =	dma.local @!p0 [hbm:s6], $0xF7A  }
0x23: {  	s9 =	sor.u32 $0xD0000000, s2;
	s6 =	simm.s32 $0x108;
	_ =	swait.ge @!p0 [sflag:s8], $0x0  }
0x24: {  	s3 =	sadd.s32 $0x88, s3;
	s6 =	simm.s32 @!p1 $0x1082;
	[sflag:s4] =	ssyncset.s32 $0xFFFFF086  }
0x25: {  	[simem:s6], [sflag:s4] =	dma.local [hbm:s3], $0xF7A  }
0x26: {  	[smem:$0x3F96] =	sst s1;
	(tag) =	ssettag s2;
	_ =	strace s9  }
0x27: {  	s1 =	sld [smem:$0x3FA6]  }
0x28: {  	s2 =	sld [smem:$0x3FA7]  }
0x29: {  	s4 =	sld [smem:$0x3FA9]  }
0x2a: {  	p0 =	seq.s32 s5, $0x0;
	s5 =	sld [smem:$0x3FAA]  }
0x2b: {  	s6 =	sld [smem:$0x3FAB]  }
0x2c: {  	s7 =	sld [smem:$0x3FAC]  }
0x2d: {  	s3 =	simm.s32 $0x108;
	s8 =	sld [smem:$0x3FAD]  }
0x2e: {  	s3 =	simm.s32 @!p0 $0x1082;
	s9 =	sld [smem:$0x3FAE]  }
0x2f: {  	lr =	sadd.s32 s0, s3;
	s0 =	sld [smem:$0x3FA5]  }
0x30: {  	s3 =	sld [smem:$0x3FA8]  }
0x31: {  	[smem:$0x3FB1] =	sst s10  }
0x32: {  	s10 =	sld [smem:$0x3FAF];
	_ =	sdelay $0x3  }
0x33: {  	p0 =	seq.s32 s10, $0x1;
	s10 =	sld [smem:$0x3FB1];
	_ =	sdelay $0x3  }
0x34: {  	[smem:$0x3FB1] =	sst s10  }
0x35: {  	s10 =	sld [smem:$0x3FB0];
	_ =	sdelay $0x3  }
0x36: {  	p1 =	seq.s32 s10, $0x1;
	s10 =	sld [smem:$0x3FB1];
	_ =	sdelay $0x3  }
0x37: {  	[smem:$0x3FB1] =	sst s10  }
0x38: {  	s10 =	sld [smem:$0x3FB2]  }
0x39: {  	_ = 	snop;
	(pc) =	sbr.ind lr, $3  }
0x3a: {  	_ = 	snop  }
0x3b: {  	_ = 	snop  }
0x3c: {  	p2 =	seq.s32 s10, $0x1;
	s10 =	sld [smem:$0x3FB1]  }
0x3d: {  	_ =	shalt  }
0x3e: {  	_ =	shalt  }
0x3f: {  	_ =	shalt  }
0x40: {  	_ =	shalt  }
0x41: {  	_ =	shalt  }
0x42: {  	_ =	shalt  }
0x43: {  	_ =	shalt  }
0x44: {  	_ =	shalt  }
0x45: {  	_ =	shalt  }
0x46: {  	_ =	shalt  }
0x47: {  	_ =	shalt  }
0x48: {  	_ =	shalt  }
0x49: {  	_ =	shalt  }
0x4a: {  	_ =	shalt  }
0x4b: {  	_ =	shalt  }
0x4c: {  	_ =	shalt  }
0x4d: {  	_ =	shalt  }
0x4e: {  	_ =	shalt  }
0x4f: {  	_ =	shalt  }
0x50: {  	_ =	shalt  }
0x51: {  	_ =	shalt  }
0x52: {  	_ =	shalt  }
0x53: {  	_ =	shalt  }
0x54: {  	_ =	shalt  }
0x55: {  	_ =	shalt  }
0x56: {  	_ =	shalt  }
0x57: {  	_ =	shalt  }
0x58: {  	_ =	shalt  }
0x59: {  	_ =	shalt  }
0x5a: {  	_ =	shalt  }
0x5b: {  	_ =	shalt  }
0x5c: {  	_ =	shalt  }
0x5d: {  	_ =	shalt  }
0x5e: {  	_ =	shalt  }
0x5f: {  	_ =	shalt  }
0x60: {  	_ =	shalt  }
0x61: {  	_ =	shalt  }
0x62: {  	_ =	shalt  }
0x63: {  	_ =	shalt  }
0x64: {  	_ =	shalt  }
0x65: {  	_ =	shalt  }
0x66: {  	_ =	shalt  }
0x67: {  	_ =	shalt  }
0x68: {  	_ =	shalt  }
0x69: {  	_ =	shalt  }
0x6a: {  	_ =	shalt  }
0x6b: {  	_ =	shalt  }
0x6c: {  	_ =	shalt  }
0x6d: {  	_ =	shalt  }
0x6e: {  	_ =	shalt  }
0x6f: {  	_ =	shalt  }
0x70: {  	_ =	shalt  }
0x71: {  	_ =	shalt  }
0x72: {  	_ =	shalt  }
0x73: {  	_ =	shalt  }
0x74: {  	_ =	shalt  }
0x75: {  	_ =	shalt  }
0x76: {  	_ =	shalt  }
0x77: {  	_ =	shalt  }
0x78: {  	_ =	shalt  }
0x79: {  	_ =	shalt  }
0x7a: {  	_ =	shalt  }
0x7b: {  	_ =	shalt  }
0x7c: {  	_ =	shalt  }
0x7d: {  	_ =	shalt  }
0x7e: {  	_ =	shalt  }
0x7f: {  	_ =	shalt  }
0x80: {  	_ =	shalt  }
0x81: {  	_ =	shalt  }
0x82: {  	_ =	shalt  }
0x83: {  	_ =	shalt  }
0x84: {  	_ =	shalt  }
0x85: {  	_ =	shalt  }
0x86: {  	_ =	shalt  }
0x87: {  	_ =	shalt  }
.Lfunc_end0:
.L_simem_size_0:
called_computation_lowered:
.L_overlay_start_0:
0x88: {  	s2 =	sld [smem:$0x3FD9]  }
0x89: {  	s3 =	sld [smem:$0x3FFE];
	_ =	sdelay $0x1  }
0x8a: {  	s1 =	srdreg.scid  }
0x8b: {  	s0 =	sand.u32 $0x1, s1  }
0x8c: {  	s17 =	sshll.u32 s0, $0xA;
	s2 =	sadd.s32 s3, s2  }
0x8d: {  	s2 =	sadd.s32 s2, s17  }
0x8e: {  	[smem:$0x3FBD] =	sst s2  }
0x8f: {  	_ = 	snop  }
0x90: {  	s2 =	sld [smem:$0x3FD0];
	(tm) =	ssettm $0x1  }
0x91: {  	s18 =	sld [smem:$0x3FFB];
	_ =	sdelay $0x3  }
0x92: {  	_ =	strace s18  }
0x93: {  	s3 =	sld [smem:$0x3FFC];
	_ =	sdelay $0x3  }
0x94: {  	_ =	strace s3  }
0x95: {  	s3 =	sld [smem:$0x3FFD];
	_ =	sdelay $0x3  }
0x96: {  	_ =	strace s3  }
0x97: {  	_ =	strace $0x8FFFFFFF  }
0x98: {  	s19 =	sld [smem:$0x3FDB];
	_ =	sdelay $0x1  }
0x99: {  	s4 =	simm.s32 $_scs_section_size  }
0x9a: {  	s5 =	simm.s32 $_size__tile_overlayer_lowered;
	s6 =	simm.s32 $_tile_overlayer_lowered  }
0x9b: {  	s22 =	simm.s32 $0x1BFF;
	s21 =	sshll.u32 s6, $0x1;
	s3 =	sadd.s32 s4, s19  }
0x9c: {  	s7 =	simm.s32 $0x0;
	s20 =	sshll.u32 s5, $0x1;
	s5 =	sadd.s32 s21, s3  }
0x9d: {  	[timem:s7], [sflag:s22] =	dma.local [hbm:s5], s20  }
0x9e: {  	_ =	swait.ge [sflag:s22], s20  }
0x9f: {  	s4 =	ssub.s32 $0x0, s20;
	[sflag:s22] =	ssyncset.done $0x0  }
0xa0: {  	[sflag:s22] =	ssyncadd.s32 s4;
	_ =	sdelay $0x1  }
0xa1: {  	s23 =	simm.s32 $0x1B8B  }
0xa2: {  	_ =	swait.ge [sflag:s23], $0x1  }
0xa3: {  	[sflag:s23] =	ssyncset.done $0x0  }
0xa4: {  	s25 =	simm.s32 $0x1B8E;
	s24 =	sld [smem:$0x3FFE];
	[sflag:s23] =	ssyncadd.s32 $0xFFFFFFFF  }
0xa5: {  	s26 =	simm.s32 $execute0_lowered;
	[smem:$0x3FD2] =	sst s25  }
0xa6: {  	s5 =	sshll.u32 s26, $0x1;
	_ =	strace $0x80000046;
	[dreg:$0x1] =	wrdreg $0xFFFFFFFF  }
0xa7: {  	s28 =	simm.s32 $_size_execute0_lowered;
	s3 =	sadd.s32 s3, s5;
	[dreg:$0x0] =	wrdreg $0x0  }
0xa8: {  	s5 =	sshll.u32 s28, $0x1;
	[dreg:$0x2] =	wrdreg s3  }
0xa9: {  	[dreg:$0x3] =	wrdreg s5  }
0xaa: {  	[dreg:$0x4] =	wrdreg $0xC0  }
0xab: {  	_ =	task [dreg:s7], $0x5FFFF  }
0xac: {  	[dreg:$0x1] =	wrdreg $0xFFFFFFFF  }
0xad: {  	[dreg:$0x0] =	wrdreg $0x60  }
0xae: {  	[dreg:$0x2] =	wrdreg s24  }
0xaf: {  	[dreg:$0x3] =	wrdreg s2  }
0xb0: {  	[dreg:$0x4] =	wrdreg $0x8F000  }
0xb1: {  	[dreg:$0x5] =	wrdreg $0x9  }
0xb2: {  	_ =	task.clear_ibuf [dreg:s7], $0x6FFFF;
	_ =	strace $0x90000046  }
0xb3: {  	s29 =	simm.s32 $0x9;
	_ =	strace $0x80000048  }
0xb4: {  	_ =	swait.ge [sflag:s29], $0x1  }
0xb5: {  	[sflag:s29] =	ssyncadd.s32 $0xFFFFFFFF  }
0xb6: {  	_ =	strace $0x90000048  }
0xb7: {  	_ =	sfence  }
0xb8: {  	s30 =	sld [smem:$0x0];
	_ =	sdelay $0x2  }
0xb9: {  	s31 =	sshll.u32 s1, $0xD;
	s1 =	sshrl.u32 s1, $0x2  }
0xba: {  	s3 =	sand.u32 $0x4000, s31;
	s1 =	sadd.s32 s1, s30  }
0xbb: {  	s0 =	sor.u32 s3, s0;
	s1 =	sshll.u32 s1, $0x11  }
0xbc: {  	s0 =	sor.u32 s1, s0  }
0xbd: {  	s0 =	sadd.s32 $0x8F2B, s0  }
0xbe: {  	[sflag:s0] =	ssyncadd.remote.s32 $0x1  }
0xbf: {  	_ =	sfence.sel $0xFFFF  }
0xc0: {  	[dreg:$0x0] =	wrdreg $0xFFFFFFFF;
	(pc) =	sbr.abs _section_cstart, $3  }
0xc1: {  	[dreg:$0x1] =	wrdreg $0xFFFFFFFF  }
0xc2: {  	_ =	task.clear_ibuf [dreg:s7], $0x2FFFF;
	_ =	strace $0x9FFFFFFF  }
0xc3: {  	(tm) =	ssettm $0x7FFFFFFF  }
tec
execute0_lowered:
.L_overlay_start_1:
0x0: {  	(tag) =	ssettag $0x1  }
0x1: {  	s7 =	rddreg [dreg:$0x0]  }
0x2: {  	s0 =	srdreg.scid;
	s11 =	rddreg [dreg:$0x1]  }
0x3: {  	s2 =	rddreg [dreg:$0x2];
	s16 =	simm.s32 $0x400;
	s17 =	simm.s32 $0x2780  }
0x4: {  	s18 =	simm.s32 $0x1CB00;
	s19 =	simm.s32 $0x40;
	s20 =	simm.s32 $0x4F00  }
0x5: {  	s21 =	simm.s32 $0x1;
	s22 =	simm.s32 $0x6F00;
	s23 =	simm.s32 $0x2  }
0x6: {  	s24 =	simm.s32 $0x3;
	s6 =	sand.u32 $0x1, s0;
	s0 =	stileid.u32  }
0x7: {  	s25 =	simm.s32 $0x4;
	s28 =	simm.s32 $0x0;
	s9 =	smul.u32 $0x13C00, s0  }
0x8: {  	s1 =	sshll.u32 s6, $0x4;
	s3 =	sshll.u32 s0, $0x7;
	s26 =	smul.u32 $0x13C000, s6  }
0x9: {  	s13 =	smul.u32 $0x4F000, s0;
	s6 =	ssub.s32 $0x2, s6;
	s31 =	sshll.u32 s0, $0x6  }
0xa: {  	s8 =	sor.u32 s0, s1;
	s5 =	sand.u32 $0x380, s3;
	s3 =	simm.s32 $0x0  }
0xb: {  	s29 =	sshrl.u32 s6, $0x1;
	s1 =	sshrl.u32 s8, $0x3;
	[smem:$0x7FF] =	sst s3  }
0xc: {  	s12 =	sadd.s32 s9, s26;
	s13 =	sshrl.u32 s13, $0x2;
	s14 =	ssub.s32 s6, s29  }
0xd: {  	s30 =	sshrl.u32 s9, $0x3;
	s15 =	smul.u32 $0x500, s8;
	s26 =	simm.s32 $0x4EC0  }
0xe: {  	s4 =	smul.u32 $0x13C00, s1;
	s1 =	rddreg [dreg:$0x3];
	s12 =	sshrl.u32 s12, $0x3  }
0xf: {  	_ =	strace $0x80000047;
	s13 =	sadd.s32 s13, s2;
	s12 =	sadd.s32 s12, s7  }
0x10: {  	s11 =	sadd.s32 s11, s15;
	s13 =	sshrl.u32 s13, $0x3;
	s4 =	sor.u32 s5, s4  }
0x11: {  	s15 =	simm.s32 $0x80;
	s5 =	sadd.s32 $0x3DC00, s7;
	s4 =	sshrl.u32 s4, $0x3  }
0x12: {  	s6 =	sadd.s32 s5, s30;
	s10 =	sadd.s32 s4, s7;
	s4 =	sadd.s32 $0x16A00, s7  }
0x13: {  	s7 =	sor.u32 $0x1C05, s31;
	s8 =	sadd.s32 $0x2E00, s10;
	s9 =	sadd.s32 $0xCC00, s10  }
0x14: {  	v0 =	vimm.f32 $1.000000000e+00;
	s10 =	sadd.s32 $0x65400, s12;
	s12 =	smax.u32 s14, $0x1;
	s14 =	simm.s32 $0x5  }
.LBB2_1:
0x15: {  	[spmem:s13], [sflag:s7] =	dma.local [hbm:s6], $0x2780  }
0x16: {  	_ =	swait.ge [sflag:s14], $0x2780  }
0x17: {  	[sflag:s14] =	ssyncset.done $0x0  }
0x18: {  	[sflag:s14] =	ssyncadd.s32 $0xFFFFD880  }
0x19: {  	[tilespmem:s3], [sflag:$0x5] =	stream.strided.gather [hbm4b:s8+s15], $0x2780, s16, s15, $0x38;
	[tilespmem:$0x1F300] =	vst v63  }
0x1a: {  	_ =	swait.ge [sflag:s14], $0x2780  }
0x1b: {  	[sflag:s14] =	ssyncset.done $0x0  }
0x1c: {  	[sflag:s14] =	ssyncadd.s32 $0xFFFFD880  }
0x1d: {  	[tilespmem:s17], [sflag:$0x5] =	stream.strided.gather [hbm4b:s9+s15], $0x2780, s16, s15, $0x38;
	[tilespmem:$0x1F300] =	vst v63  }
0x1e: {  	_ =	swait.ge [sflag:s14], $0x2780  }
0x1f: {  	[sflag:s14] =	ssyncset.done $0x0  }
0x20: {  	[sflag:s14] =	ssyncadd.s32 $0xFFFFD880  }
0x21: {  	[tilespmem:s18], [sflag:$0x5] =	stream.linear.gather [hbm4b:s5+s3], $0x2800, $0x38;
	[tilespmem:$0x1F300] =	vst v63  }
0x22: {  	_ =	swait.ge [sflag:s14], $0x2800  }
0x23: {  	[sflag:s14] =	ssyncset.done $0x0  }
0x24: {  	[sflag:s14] =	ssyncadd.s32 $0xFFFFD800  }
0x25: {  	[bflag:$0x0] =	sbarrier.arrive $0xFFFF  }
0x26: {  	[tilespmem:s20], [sflag:$0x1] =	stream.indirect.gather [hbm4b:s4+s19], $0x80, s3, s19, $0xb8;
	[tilespmem:$0x1F300] =	vst v63  }
0x27: {  	_ =	swait.ge [sflag:s21], $0x2000  }
0x28: {  	[sflag:s21] =	ssyncset.done $0x0  }
0x29: {  	[sflag:s21] =	ssyncadd.s32 $0xFFFFE000  }
0x2a: {  	[spmem:s2] =	stream.indirect.scatter.add.f32 [tilespmem:s20], [sflag:$0x3], $0x80, s17, s19, $0xb8;
	[tilespmem:$0x1F300] =	vst v63  }
0x2b: {  	v1 =	vld [tilespmem:$0x2780];
	_ =	sdelay $0x7  }
0x2c: {  	[tilespmem:v1+s18+$0x0] =	vst.idx.add.f32.msk $0xffff, v0  }
0x2d: {  	v1 =	vld [tilespmem:$0x2790];
	_ =	sdelay $0x7  }
0x2e: {  	[tilespmem:v1+s18+$0x0] =	vst.idx.add.f32.msk $0xffff, v0  }
0x2f: {  	v1 =	vld [tilespmem:$0x27A0];
	_ =	sdelay $0x7  }
0x30: {  	[tilespmem:v1+s18+$0x0] =	vst.idx.add.f32.msk $0xffff, v0  }
0x31: {  	v1 =	vld [tilespmem:$0x27B0];
	_ =	sdelay $0x7  }
0x32: {  	s29 =	simm.s32 $0x0;
	[tilespmem:v1+s18+$0x0] =	vst.idx.add.f32.msk $0xffff, v0  }
0x33: {  	[tilespmem:s22], [sflag:$0x2] =	stream.indirect.gather [hbm4b:s4+s19], $0x80, s19, s19, $0xb8;
	[tilespmem:$0x1F300] =	vst v63  }
.LBB2_2:
0x34: {  	_ =	swait.ge [sflag:s23], $0x2000  }
0x35: {  	s30 =	sshra.s32 s29, $0x2;
	[sflag:s23] =	ssyncset.done $0x0  }
0x36: {  	s31 =	sadd.s32 $0x27C0, s30;
	[sflag:s23] =	ssyncadd.s32 $0xFFFFE000  }
0x37: {  	[spmem:s2] =	stream.indirect.scatter.add.f32 [tilespmem:s22], [sflag:$0x4], $0x80, s31, s19, $0xb8;
	[tilespmem:$0x1F300] =	vst v63  }
0x38: {  	_ =	swait.ge [sflag:s24], $0x2000  }
0x39: {  	[sflag:s24] =	ssyncset.done $0x0  }
0x3a: {  	s31 =	sadd.s32 $0x80, s30;
	[sflag:s24] =	ssyncadd.s32 $0xFFFFE000  }
0x3b: {  	[tilespmem:s20], [sflag:$0x1] =	stream.indirect.gather [hbm4b:s4+s19], $0x80, s31, s19, $0xb8;
	[tilespmem:$0x1F300] =	vst v63  }
0x3c: {  	v1 =	vld [tilespmem:s30+$0x27C0];
	_ =	sdelay $0x7  }
0x3d: {  	[tilespmem:v1+s18+$0x0] =	vst.idx.add.f32.msk $0xffff, v0  }
0x3e: {  	v1 =	vld [tilespmem:s30+$0x27D0];
	_ =	sdelay $0x7  }
0x3f: {  	[tilespmem:v1+s18+$0x0] =	vst.idx.add.f32.msk $0xffff, v0  }
0x40: {  	v1 =	vld [tilespmem:s30+$0x27E0];
	_ =	sdelay $0x7  }
0x41: {  	[tilespmem:v1+s18+$0x0] =	vst.idx.add.f32.msk $0xffff, v0  }
0x42: {  	v1 =	vld [tilespmem:s30+$0x27F0];
	_ =	sdelay $0x7  }
0x43: {  	[tilespmem:v1+s18+$0x0] =	vst.idx.add.f32.msk $0xffff, v0  }
0x44: {  	_ =	swait.ge [sflag:s21], $0x2000  }
0x45: {  	[sflag:s21] =	ssyncset.done $0x0  }
0x46: {  	s31 =	sadd.s32 $0x2800, s30;
	[sflag:s21] =	ssyncadd.s32 $0xFFFFE000  }
0x47: {  	[spmem:s2] =	stream.indirect.scatter.add.f32 [tilespmem:s20], [sflag:$0x3], $0x80, s31, s19, $0xb8;
	[tilespmem:$0x1F300] =	vst v63  }
0x48: {  	_ =	swait.ge [sflag:s25], $0x2000  }
0x49: {  	[sflag:s25] =	ssyncset.done $0x0  }
0x4a: {  	s31 =	sadd.s32 $0xC0, s30;
	[sflag:s25] =	ssyncadd.s32 $0xFFFFE000  }
0x4b: {  	[tilespmem:s22], [sflag:$0x2] =	stream.indirect.gather [hbm4b:s4+s19], $0x80, s31, s19, $0xb8;
	[tilespmem:$0x1F300] =	vst v63  }
0x4c: {  	v1 =	vld [tilespmem:s30+$0x2800];
	_ =	sdelay $0x7  }
0x4d: {  	[tilespmem:v1+s18+$0x0] =	vst.idx.add.f32.msk $0xffff, v0  }
0x4e: {  	v1 =	vld [tilespmem:s30+$0x2810];
	_ =	sdelay $0x7  }
0x4f: {  	[tilespmem:v1+s18+$0x0] =	vst.idx.add.f32.msk $0xffff, v0  }
0x50: {  	v1 =	vld [tilespmem:s30+$0x2820];
	_ =	sdelay $0x7  }
0x51: {  	[tilespmem:v1+s18+$0x0] =	vst.idx.add.f32.msk $0xffff, v0  }
0x52: {  	v1 =	vld [tilespmem:s30+$0x2830];
	_ =	sdelay $0x2  }
0x53: {  	p0 =	sne.s32 s29, $0x9A00  }
.Ltmp0:
0x54: {  	_ = 	snop;
	(pc) =	sbr.rel @p0 .LBB2_2-.Ltmp0, $2  }
0x55: {  	_ =	sdelay $0x2  }
0x56: {  	s29 =	sadd.s32 $0x200, s29;
	[tilespmem:v1+s18+$0x0] =	vst.idx.add.f32.msk $0xffff, v0  }
0x57: {  	_ =	swait.ge [sflag:s23], $0x2000  }
0x58: {  	[sflag:s23] =	ssyncset.done $0x0  }
0x59: {  	[sflag:s23] =	ssyncadd.s32 $0xFFFFE000  }
0x5a: {  	[spmem:s2] =	stream.indirect.scatter.add.f32 [tilespmem:s22], [sflag:$0x4], $0x80, s26, s19, $0xb8;
	[tilespmem:$0x1F300] =	vst v63  }
0x5b: {  	v1 =	vld [tilespmem:$0x4EC0];
	_ =	sdelay $0x7  }
0x5c: {  	[tilespmem:v1+s18+$0x0] =	vst.idx.add.f32.msk $0xffff, v0  }
0x5d: {  	v1 =	vld [tilespmem:$0x4ED0];
	_ =	sdelay $0x7  }
0x5e: {  	[tilespmem:v1+s18+$0x0] =	vst.idx.add.f32.msk $0xffff, v0  }
0x5f: {  	v1 =	vld [tilespmem:$0x4EE0];
	_ =	sdelay $0x7  }
0x60: {  	[tilespmem:v1+s18+$0x0] =	vst.idx.add.f32.msk $0xffff, v0  }
0x61: {  	v1 =	vld [tilespmem:$0x4EF0];
	_ =	sdelay $0x7  }
0x62: {  	[tilespmem:v1+s18+$0x0] =	vst.idx.add.f32.msk $0xffff, v0  }
0x63: {  	_ =	swait.ge [sflag:s24], $0x2000  }
0x64: {  	[sflag:s24] =	ssyncset.done $0x0  }
0x65: {  	[sflag:s24] =	ssyncadd.s32 $0xFFFFE000  }
0x66: {  	_ =	swait.ge [sflag:s25], $0x2000  }
0x67: {  	[sflag:s25] =	ssyncset.done $0x0  }
0x68: {  	[sflag:s25] =	ssyncadd.s32 $0xFFFFE000  }
0x69: {  	[bflag:$0x0] =	sbarrier.arrive $0xFFFF  }
0x6a: {  	[hbm:s10], [sflag:s7] =	dma.local [spmem:s13], $0x2780  }
0x6b: {  	s28 =	sadd.s32 $0x1, s28;
	_ =	swait.ge [sflag:s14], $0x2780  }
0x6c: {  	p0 =	sne.s32 s28, s12;
	[sflag:s14] =	ssyncset.done $0x0  }
.Ltmp1:
0x6d: {  	[sflag:s14] =	ssyncadd.s32 $0xFFFFD880;
	(pc) =	sbr.rel @p0 .LBB2_1-.Ltmp1, $4  }
0x6e: {  	[hbm4b:s11+s3] =	stream.linear.scatter [tilespmem:s18], [sflag:$0x5], $0x2800, $0x38;
	[tilespmem:$0x1F300] =	vst v63  }
0x6f: {  	_ =	swait.ge [sflag:s14], $0x2800  }
0x70: {  	[sflag:s14] =	ssyncset.done $0x0  }
0x71: {  	[sflag:s14] =	ssyncadd.s32 $0xFFFFD800  }
0x72: {  	_ =	sfence.sel $0x180000  }
0x73: {  	[bflag:$0x0] =	sbarrier.arrive $0xFFFF  }
0x74: {  	p0 =	sne.s32 s0, $0x0;
	_ =	strace $0x90000047  }
0x75: {  	s0 =	sadd.s32 @!p0 $0x100000, s1;
	[bflag:$0x2] =	sbarrier.arrive $0xFFFF  }
0x76: {  	[sflag:s0] =	ssyncadd.tile.s32 @!p0 $0x1;
	_ =	shalt  }
.Lfunc_end2:
_tile_overlayer_lowered:
.L_overlay_start_2:
0x77: {  	(tag) =	ssettag $0x2  }
0x78: {  	s0 =	rddreg [dreg:$0x0];
	s2 =	stileid.u32  }
0x79: {  	s1 =	rddreg [dreg:$0x1];
	p0 =	sne.s32 s2, $0x0  }
0x7a: {  	s3 =	rddreg [dreg:$0x2];
	[bflag:$0x3] =	sbarrier.arrive $0xFFFF;
	s2 =	simm.s32 @!p0 $0x1C05  }
0x7b: {  	[timem:s3], [sflag:s2] =	dma.local @!p0 [hbm:s0], s1  }
0x7c: {  	s0 =	simm.s32 @!p0 $0x5  }
0x7d: {  	_ =	swait.ge @!p0 [sflag:s0], s1  }
0x7e: {  	s1 =	ssub.s32 @!p0 $0x0, s1;
	[sflag:s0] =	ssyncset.done @!p0 $0x0  }
0x7f: {  	[sflag:s0] =	ssyncadd.s32 @!p0 s1  }
0x80: {  	[bflag:$0x3] =	sbarrier.arrive $0xFFFF  }
0x81: {  	_ =	shalt  }

</sc_bundles>
